<compile_context>
chip_gen: v7x
topology: tpu7x:2x2x1
jax: 0.10.2.dev20260603
libtpu: 0.0.44.dev20260713+nightly
codegen_flags: <defaults>
</compile_context>

<pallas_src>
import jax
import jax.numpy as jnp
from jax import lax
from jax.experimental import pallas as pl
from jax.experimental.pallas import tpu as pltpu
from jax.experimental.pallas import tpu_sc as plsc

N_NODES = 10000
D = 128
DH = D // 2

NC = 2
NS = 16

CH = 128
NCHUNK = 160
EPAD = NS * NCHUNK * CH
A_ROWS = 10240
ZROWS = A_ROWS // NS
CROWS = A_ROWS // 16
IG = 4
NIG = NCHUNK // IG
XPT = N_NODES // NS


def _sc_aggregate():
    mesh = plsc.VectorSubcoreMesh(core_axis_name="c", subcore_axis_name="s")
    out_type = (
        jax.ShapeDtypeStruct((NC, A_ROWS, DH), jnp.float32),
        jax.ShapeDtypeStruct((NC, CROWS, 16), jnp.float32),
    )
    scratch = (
        [pltpu.VMEM((NCHUNK, CH), jnp.int32)]
        + [pltpu.VMEM((IG, CH), jnp.int32)] * 2
        + [pltpu.VMEM((CH, DH), jnp.float32)] * 2
        + [pltpu.VMEM((CROWS, 16), jnp.float32)]
        + [pltpu.VMEM((5, CH), jnp.int32)]
        + [pltpu.VMEM_SHARED((N_NODES, DH), jnp.float32),
           pltpu.VMEM_SHARED((A_ROWS, DH), jnp.float32),
           pltpu.VMEM_SHARED((CROWS, 16), jnp.float32)]
        + [pltpu.SemaphoreType.DMA] * 6
    )

    def body(x_hbm, src_hbm, dst_hbm, zf_hbm,
             outf_hbm, outc_hbm, dst_v, st0, st1, row0, row1, cnt_v,
             ridx_v, xspm, acc_s, cntsh, gsem0, gsem1, ssem0, ssem1,
             isem0, isem1):
        rows = (row0, row1)
        gsem = (gsem0, gsem1)
        ssem = (ssem0, ssem1)
        st = (st0, st1)
        isem = (isem0, isem1)

        c = lax.axis_index("c")
        s = lax.axis_index("s")

        r0 = s * XPT
        pltpu.async_copy(dst_hbm.at[s], dst_v, isem0)
        xoff = c * DH
        pltpu.async_copy(x_hbm.at[pl.ds(r0, XPT), pl.ds(xoff, DH)],
                         xspm.at[pl.ds(r0, XPT)], gsem0)
        pltpu.async_copy(zf_hbm, acc_s.at[pl.ds(s * ZROWS, ZROWS)], ssem0)
        pltpu.async_copy(zf_hbm.at[pl.ds(0, CROWS // NS), pl.ds(0, 16)],
                         cntsh.at[pl.ds(s * (CROWS // NS), CROWS // NS)],
                         gsem1)

        def czero(i, carry):
            cnt_v[i, pl.ds(0, 16)] = jnp.zeros((16,), jnp.float32)
            return carry

        lax.fori_loop(0, CROWS, czero, 0)

        iota16 = lax.iota(jnp.int32, 16)

        def rinit(t, carry):
            i = lax.shift_right_logical(t, 3)
            k = lax.bitwise_and(t, 7) * 16
            ridx_v[i, pl.ds(k, 16)] = iota16 + t * 16
            return carry

        lax.fori_loop(0, 5 * CH // 16, rinit, 0)

        pltpu.make_async_copy(dst_hbm.at[s], dst_v, isem0).wait()
        pltpu.make_async_copy(zf_hbm.at[pl.ds(0, CROWS // NS), pl.ds(0, 16)],
                              cntsh.at[pl.ds(s * (CROWS // NS),
                                             CROWS // NS)],
                              gsem1).wait()
        pltpu.make_async_copy(x_hbm.at[pl.ds(r0, XPT), pl.ds(xoff, DH)],
                              xspm.at[pl.ds(r0, XPT)], gsem0).wait()
        pltpu.make_async_copy(zf_hbm, acc_s.at[pl.ds(s * ZROWS, ZROWS)],
                              ssem0).wait()
        plsc.subcore_barrier()

        ones16 = jnp.ones((16,), jnp.float32)

        def count_chunk(j):
            for k2 in range(CH // 16):
                idxv = dst_v[j, pl.ds(k2 * 16, 16)]
                rowv = lax.shift_right_logical(idxv, 4)
                lanev = lax.bitwise_and(idxv, 15)
                plsc.addupdate_scatter(cnt_v, [rowv, lanev], ones16)

        def idxcopy(g, p):
            pltpu.async_copy(src_hbm.at[s, pl.ds(g * IG, IG)], st[p],
                             isem[p])

        def idxwait(g, p):
            pltpu.make_async_copy(src_hbm.at[s, pl.ds(g * IG, IG)], st[p],
                                  isem[p]).wait()

        def gather(j, jl, p, b):
            pltpu.async_copy(xspm.at[st[p].at[jl]], rows[b], gsem[b])

        def gather_wait(j, jl, p, b):
            pltpu.make_async_copy(xspm.at[st[p].at[jl]], rows[b],
                                  gsem[b]).wait()

        def scatter(j, b):
            pltpu.async_copy(rows[b], acc_s.at[dst_v.at[j]], ssem[b],
                             add=True)

        def scatter_wait(j, b):
            pltpu.make_async_copy(rows[b], acc_s.at[dst_v.at[j]],
                                  ssem[b]).wait()

        pltpu.sync_copy(src_hbm.at[s, pl.ds(0, IG)], st0)
        idxcopy(1, 1)
        gather(0, 0, 0, 0)

        def og_body(og, carry):
            j0 = og * (2 * IG)
            for t in range(2 * IG):
                j = j0 + t
                p = t // IG
                b = t % 2
                gather_wait(j, t % IG, p, b)

                if t == IG - 1:
                    @pl.when(og < NIG // 2 - 1)
                    def _():
                        idxcopy(2 * og + 2, 0)
                if t == 2 * IG - 1:
                    @pl.when(og < NIG // 2 - 1)
                    def _():
                        idxcopy(2 * og + 3, 1)

                scatter(j, b)
                count_chunk(j)

                @pl.when(j >= 1)
                def _():
                    scatter_wait(j - 1, 1 - b)

                tn = t + 1
                if tn < 2 * IG:
                    if tn == IG:
                        idxwait(2 * og + 1, 1)
                    gather(j + 1, tn % IG, tn // IG, tn % 2)
                else:
                    @pl.when(j + 1 < NCHUNK)
                    def _():
                        idxwait(2 * og + 2, 0)
                        gather(j + 1, 0, 0, 0)

            return carry

        lax.fori_loop(0, NIG // 2, og_body, 0)

        scatter_wait(NCHUNK - 1, 1)
        for k3 in range(5):
            pltpu.sync_copy(cnt_v.at[pl.ds(k3 * CH, CH)],
                            cntsh.at[ridx_v.at[k3]], add=True)
        plsc.subcore_barrier()

        f0 = s * ZROWS
        pltpu.sync_copy(acc_s.at[pl.ds(f0, ZROWS)],
                        outf_hbm.at[c, pl.ds(f0, ZROWS)])
        c0 = s * (CROWS // NS)
        pltpu.sync_copy(cntsh.at[pl.ds(c0, CROWS // NS)],
                        outc_hbm.at[c, pl.ds(c0, CROWS // NS)])

    return pl.kernel(body, out_type=out_type, mesh=mesh,
                     scratch_types=scratch,
                     compiler_params=pltpu.CompilerParams(
                         use_tc_tiling_on_sc=False,
                         needs_layout_passes=False))


_sc_agg = _sc_aggregate()


def _tc_root(x_ref, wrt_ref, b_ref, o_ref):
    o_ref[...] = (jnp.dot(x_ref[...], wrt_ref[...], precision="highest",
                          preferred_element_type=jnp.float32)
                  + b_ref[...])


def _tc_tail(pf_ref, pc_ref, hr_ref, wlt_ref, o_ref):
    agg = jnp.concatenate([pf_ref[0], pf_ref[1]], axis=1)
    cnt = 0.5 * (pc_ref[0] + pc_ref[1])
    mean = agg / jnp.maximum(cnt, 1.0)
    h = (jnp.dot(mean, wlt_ref[...], precision="highest",
                 preferred_element_type=jnp.float32)
         + hr_ref[...])
    sq = jnp.sum(h * h, axis=1, keepdims=True)
    o_ref[...] = h * lax.rsqrt(jnp.maximum(sq, 1e-24))


@jax.jit
def kernel(x, x0, edge_index, W_l, b_l, W_r):
    del x0
    src = edge_index[0].astype(jnp.int32)
    dst = edge_index[1].astype(jnp.int32)
    pad = EPAD - src.shape[0]
    src_r = jnp.concatenate([src, jnp.zeros((pad,), jnp.int32)]
                            ).reshape(NS, NCHUNK, CH)
    dst_r = jnp.concatenate([dst, jnp.full((pad,), N_NODES, jnp.int32)]
                            ).reshape(NS, NCHUNK, CH)
    zf = jnp.zeros((ZROWS, DH), jnp.float32)

    BM = 1000
    grid = (N_NODES // BM,)
    h_r = pl.pallas_call(
        _tc_root,
        grid=grid,
        in_specs=[
            pl.BlockSpec((BM, D), lambda i: (i, 0)),
            pl.BlockSpec((D, D), lambda i: (0, 0)),
            pl.BlockSpec((1, D), lambda i: (0, 0)),
        ],
        out_specs=pl.BlockSpec((BM, D), lambda i: (i, 0)),
        out_shape=jax.ShapeDtypeStruct((N_NODES, D), jnp.float32),
    )(x, W_r.T, b_l[None, :])

    pf, pc = _sc_agg(x, src_r, dst_r, zf)
    pc_r = pc.reshape(NC, A_ROWS, 1)

    out = pl.pallas_call(
        _tc_tail,
        grid=grid,
        in_specs=[
            pl.BlockSpec((NC, BM, DH), lambda i: (0, i, 0)),
            pl.BlockSpec((NC, BM, 1), lambda i: (0, i, 0)),
            pl.BlockSpec((BM, D), lambda i: (i, 0)),
            pl.BlockSpec((D, D), lambda i: (0, 0)),
        ],
        out_specs=pl.BlockSpec((BM, D), lambda i: (i, 0)),
        out_shape=jax.ShapeDtypeStruct((N_NODES, D), jnp.float32),
    )(pf, pc_r, h_r, W_l.T)
    return out

# --- scband reference (transcript-rebuilt; emitter-appended) ---
"""Pipeline reference for scband-na-aggregator-84636625535661 (READ-ONLY COPY).

The authoritative reference and input builder live on the scoring server;
editing this copy changes nothing except your own understanding.
"""

import jax, jax.numpy as jnp
import numpy as np

N_NODES = 10000
N_EDGES = 320000
D_IN = 128
D_OUT = 128

def setup_inputs(seed: int = 0) -> dict:
    key = jax.random.key(seed)
    k1, k2, k3, k4, k5, k6 = jax.random.split(key, 6)
    x = jax.random.normal(k1, (N_NODES, D_IN), dtype=jnp.float32)
    x0 = jax.random.normal(k2, (N_NODES, D_IN), dtype=jnp.float32)
    edge_index = jax.random.randint(k3, (2, N_EDGES), 0, N_NODES, dtype=jnp.int64)
    # SAGEConv params: lin_l (applied to aggregated neighbors, with bias), lin_r (root, no bias)
    bound_l = 1.0 / np.sqrt(D_IN)
    W_l = jax.random.uniform(k4, (D_OUT, D_IN), minval=-bound_l, maxval=bound_l, dtype=jnp.float32)
    b_l = jax.random.uniform(k5, (D_OUT,), minval=-bound_l, maxval=bound_l, dtype=jnp.float32)
    W_r = jax.random.uniform(k6, (D_OUT, D_IN), minval=-bound_l, maxval=bound_l, dtype=jnp.float32)
    return {"x": x, "x0": x0, "edge_index": edge_index, "W_l": W_l, "b_l": b_l, "W_r": W_r}

def reference(x, x0, edge_index, W_l, b_l, W_r):
    # NaAggregator with aggregator='sage' -> SAGEConv(in_dim, out_dim, normalize=True)
    # x0 is ignored for 'sage' (only used by fagcn/gcnii)
    src = edge_index[0]
    dst = edge_index[1]
    msgs = jnp.take(x, src, axis=0)                       # gather source features [E, D]
    agg = jax.ops.segment_sum(msgs, dst, num_segments=N_NODES)
    cnt = jax.ops.segment_sum(jnp.ones((msgs.shape[0],), dtype=x.dtype), dst, num_segments=N_NODES)
    mean = agg / jnp.clip(cnt, 1.0, None)[:, None]        # mean aggregation
    out = mean @ W_l.T + b_l + x @ W_r.T                  # lin_l(agg) + lin_r(x)
    # normalize=True -> F.normalize(out, p=2, dim=-1)
    nrm = jnp.linalg.norm(out, axis=-1, keepdims=True)
    out = out / jnp.clip(nrm, 1e-12, None)
    return out

if __name__ == "__main__":
    import jax
    _d = setup_inputs()
    print(jax.jit(kernel)(*tuple(_d.values())))

</pallas_src>

<mosaic_0001>
#map = affine_map<(d0, d1) -> (0, 0)>
#map1 = affine_map<(d0, d1) -> (0, 0, 0)>
module attributes {stable_mosaic.version = 14 : i64} {
  func.func @body(%arg0: i32, %arg1: i32, %arg2: memref<10000x128xf32, #tpu.memory_space<hbm>>, %arg3: memref<16x160x128xi32, #tpu.memory_space<hbm>>, %arg4: memref<16x160x128xi32, #tpu.memory_space<hbm>>, %arg5: memref<640x64xf32, #tpu.memory_space<hbm>>, %arg6: memref<2x10240x64xf32, #tpu.memory_space<hbm>>, %arg7: memref<2x640x16xf32, #tpu.memory_space<hbm>>, %arg8: memref<160x128xi32, #tpu.memory_space<vmem>>, %arg9: memref<4x128xi32, #tpu.memory_space<vmem>>, %arg10: memref<4x128xi32, #tpu.memory_space<vmem>>, %arg11: memref<128x64xf32, #tpu.memory_space<vmem>>, %arg12: memref<128x64xf32, #tpu.memory_space<vmem>>, %arg13: memref<640x16xf32, #tpu.memory_space<vmem>>, %arg14: memref<5x128xi32, #tpu.memory_space<vmem>>, %arg15: memref<10000x64xf32, #tpu.memory_space<vmem_shared>>, %arg16: memref<10240x64xf32, #tpu.memory_space<vmem_shared>>, %arg17: memref<640x16xf32, #tpu.memory_space<vmem_shared>>, %arg18: memref<!tpu.dma_semaphore, #tpu.memory_space<semaphore_mem>>, %arg19: memref<!tpu.dma_semaphore, #tpu.memory_space<semaphore_mem>>, %arg20: memref<!tpu.dma_semaphore, #tpu.memory_space<semaphore_mem>>, %arg21: memref<!tpu.dma_semaphore, #tpu.memory_space<semaphore_mem>>, %arg22: memref<!tpu.dma_semaphore, #tpu.memory_space<semaphore_mem>>, %arg23: memref<!tpu.dma_semaphore, #tpu.memory_space<semaphore_mem>>) attributes {dimension_semantics = [#tpu.dimension_semantics<core_parallel>, #tpu.dimension_semantics<subcore_parallel>], iteration_bounds = array<i64: 2, 16>, scalar_prefetch = 0 : i64, scratch_operands = 16 : i64, tpu.core_type = #tpu.core_type<sc_vector_subcore>, window_params = [{transform_indices = #map}, {transform_indices = #map1}, {transform_indices = #map1}, {transform_indices = #map}, {transform_indices = #map1}, {transform_indices = #map1}]} {
    %mul3A = arith.constant 625 : i32
    %mul3A_0 = arith.muli %arg1, %mul3A : i32
    %dma_start3A = arith.constant 0 : i32
    %dma_start3A_1 = arith.constant 0 : i32
    %dma_start3A_2 = tpu.memref_slice %arg4[%arg1, %dma_start3A, %dma_start3A_1] : memref<16x160x128xi32, #tpu.memory_space<hbm>> -> memref<1x160x128xi32, #tpu.memory_space<hbm>>
    %dma_start3A_3 = tpu.memref_squeeze %dma_start3A_2 : memref<1x160x128xi32, #tpu.memory_space<hbm>> -> memref<160x128xi32, #tpu.memory_space<hbm>>
    %dma_start3A_4 = arith.constant 0 : i32
    %dma_start3A_5 = arith.constant 0 : i32
    %dma_start3A_6 = tpu.memref_slice %arg4[%arg1, %dma_start3A_4, %dma_start3A_5] : memref<16x160x128xi32, #tpu.memory_space<hbm>> -> memref<1x160x128xi32, #tpu.memory_space<hbm>>
    %dma_start3A_7 = tpu.memref_squeeze %dma_start3A_6 : memref<1x160x128xi32, #tpu.memory_space<hbm>> -> memref<160x128xi32, #tpu.memory_space<hbm>>
    tpu.enqueue_dma source(%dma_start3A_7 : memref<160x128xi32, #tpu.memory_space<hbm>>) target(%arg8 : memref<160x128xi32, #tpu.memory_space<vmem>>) target_semaphore(%arg22 : memref<!tpu.dma_semaphore, #tpu.memory_space<semaphore_mem>>)
    %mul3A_8 = arith.constant 64 : i32
    %mul3A_9 = arith.muli %arg0, %mul3A_8 : i32
    %dma_start3A_10 = arith.constant 0 : i32
    %dma_start3A_11 = tpu.memref_slice %arg15[%mul3A_0, %dma_start3A_10] : memref<10000x64xf32, #tpu.memory_space<vmem_shared>> -> memref<625x64xf32, #tpu.memory_space<vmem_shared>>
    %dma_start3A_12 = tpu.memref_slice %arg2[%mul3A_0, %mul3A_9] : memref<10000x128xf32, #tpu.memory_space<hbm>> -> memref<625x64xf32, #tpu.memory_space<hbm>>
    tpu.enqueue_dma source(%dma_start3A_12 : memref<625x64xf32, #tpu.memory_space<hbm>>) target(%dma_start3A_11 : memref<625x64xf32, #tpu.memory_space<vmem_shared>>) target_semaphore(%arg18 : memref<!tpu.dma_semaphore, #tpu.memory_space<semaphore_mem>>)
    %mul3A_13 = arith.constant 640 : i32
    %mul3A_14 = arith.muli %arg1, %mul3A_13 : i32
    %dma_start3A_15 = arith.constant 0 : i32
    %dma_start3A_16 = tpu.memref_slice %arg16[%mul3A_14, %dma_start3A_15] : memref<10240x64xf32, #tpu.memory_space<vmem_shared>> -> memref<640x64xf32, #tpu.memory_space<vmem_shared>>
    tpu.enqueue_dma source(%arg5 : memref<640x64xf32, #tpu.memory_space<hbm>>) target(%dma_start3A_16 : memref<640x64xf32, #tpu.memory_space<vmem_shared>>) target_semaphore(%arg20 : memref<!tpu.dma_semaphore, #tpu.memory_space<semaphore_mem>>)
    %mul3A_17 = arith.constant 40 : i32
    %mul3A_18 = arith.muli %arg1, %mul3A_17 : i32
    %dma_start3A_19 = arith.constant 0 : i32
    %dma_start3A_20 = tpu.memref_slice %arg17[%mul3A_18, %dma_start3A_19] : memref<640x16xf32, #tpu.memory_space<vmem_shared>> -> memref<40x16xf32, #tpu.memory_space<vmem_shared>>
    %dma_start3A_21 = arith.constant 0 : i32
    %dma_start3A_22 = arith.constant 0 : i32
    %dma_start3A_23 = tpu.memref_slice %arg5[%dma_start3A_21, %dma_start3A_22] : memref<640x64xf32, #tpu.memory_space<hbm>> -> memref<40x16xf32, #tpu.memory_space<hbm>>
    tpu.enqueue_dma source(%dma_start3A_23 : memref<40x16xf32, #tpu.memory_space<hbm>>) target(%dma_start3A_20 : memref<40x16xf32, #tpu.memory_space<vmem_shared>>) target_semaphore(%arg19 : memref<!tpu.dma_semaphore, #tpu.memory_space<semaphore_mem>>)
    %scan3A = arith.constant 0 : i32
    %scan3A_24 = arith.constant 0 : i32
    %scan3A_25 = arith.constant 640 : i32
    %scan3A_26 = arith.addi %scan3A_24, %scan3A_25 : i32
    %scan3A_27 = arith.constant 1 : i32
    scf.for %scan3A_94 = %scan3A_24 to %scan3A_26 step %scan3A_27  : i32 {
      %broadcast_in_dim3A_95 = arith.constant 0.000000e+00 : f32
      %broadcast_in_dim3A_96 = vector.broadcast %broadcast_in_dim3A_95 : f32 to vector<16xf32>
      %swap3A = arith.index_cast %scan3A_94 : i32 to index
      %swap3A_97 = arith.constant 0 : index
      %swap3A_98 = tpu.vector_load %arg13[%swap3A, %swap3A_97] {strides = array<i32>} : memref<640x16xf32, #tpu.memory_space<vmem>>, vector<16xf32>,
      tpu.vector_store %arg13[%swap3A, %swap3A_97], %broadcast_in_dim3A_96 {strides = array<i32>} : memref<640x16xf32, #tpu.memory_space<vmem>>, vector<16xf32>,
    }
    %scan3A_28 = arith.constant 640 : i32
    %iota3A = tpu.iota {dimensions = array<i32: 0>} : vector<16xi32>
    %scan3A_29 = arith.constant 0 : i32
    %scan3A_30 = arith.constant 0 : i32
    %scan3A_31 = arith.constant 40 : i32
    %scan3A_32 = arith.addi %scan3A_30, %scan3A_31 : i32
    %scan3A_33 = arith.constant 1 : i32
    scf.for %scan3A_94 = %scan3A_30 to %scan3A_32 step %scan3A_33  : i32 {
      %shift_right_logical3A = arith.constant 3 : i32
      %shift_right_logical3A_95 = arith.shrui %scan3A_94, %shift_right_logical3A : i32
      %and3A = arith.constant 7 : i32
      %and3A_96 = arith.andi %scan3A_94, %and3A : i32
      %mul3A_97 = arith.constant 16 : i32
      %mul3A_98 = arith.muli %and3A_96, %mul3A_97 : i32
      %mul3A_99 = arith.constant 16 : i32
      %mul3A_100 = arith.muli %scan3A_94, %mul3A_99 : i32
      %add3A = vector.broadcast %mul3A_100 : i32 to vector<16xi32>
      %add3A_101 = arith.addi %iota3A, %add3A : vector<16xi32>
      %swap3A = arith.index_cast %shift_right_logical3A_95 : i32 to index
      %swap3A_102 = arith.index_cast %mul3A_98 : i32 to index
      %swap3A_103 = tpu.vector_load %arg14[%swap3A, %swap3A_102] {strides = array<i32>} : memref<5x128xi32, #tpu.memory_space<vmem>>, vector<16xi32>,
      tpu.vector_store %arg14[%swap3A, %swap3A_102], %add3A_101 {strides = array<i32>} : memref<5x128xi32, #tpu.memory_space<vmem>>, vector<16xi32>,
    }
    %scan3A_34 = arith.constant 40 : i32
    %dma_wait3A = arith.constant 0 : i32
    %dma_wait3A_35 = arith.constant 0 : i32
    %dma_wait3A_36 = tpu.memref_slice %arg4[%arg1, %dma_wait3A, %dma_wait3A_35] : memref<16x160x128xi32, #tpu.memory_space<hbm>> -> memref<1x160x128xi32, #tpu.memory_space<hbm>>
    %dma_wait3A_37 = tpu.memref_squeeze %dma_wait3A_36 : memref<1x160x128xi32, #tpu.memory_space<hbm>> -> memref<160x128xi32, #tpu.memory_space<hbm>>
    %dma_wait3A_38 = arith.constant 0 : i32
    %dma_wait3A_39 = arith.constant 0 : i32
    %dma_wait3A_40 = tpu.memref_slice %arg4[%arg1, %dma_wait3A_38, %dma_wait3A_39] : memref<16x160x128xi32, #tpu.memory_space<hbm>> -> memref<1x160x128xi32, #tpu.memory_space<hbm>>
    %dma_wait3A_41 = tpu.memref_squeeze %dma_wait3A_40 : memref<1x160x128xi32, #tpu.memory_space<hbm>> -> memref<160x128xi32, #tpu.memory_space<hbm>>
    tpu.wait_dma2 semaphore(%arg22 : memref<!tpu.dma_semaphore, #tpu.memory_space<semaphore_mem>>) src(%dma_wait3A_41 : memref<160x128xi32, #tpu.memory_space<hbm>>) dst(%arg8 : memref<160x128xi32, #tpu.memory_space<vmem>>)
    %mul3A_42 = arith.constant 40 : i32
    %mul3A_43 = arith.muli %arg1, %mul3A_42 : i32
    %dma_wait3A_44 = arith.constant 0 : i32
    %dma_wait3A_45 = tpu.memref_slice %arg17[%mul3A_43, %dma_wait3A_44] : memref<640x16xf32, #tpu.memory_space<vmem_shared>> -> memref<40x16xf32, #tpu.memory_space<vmem_shared>>
    %dma_wait3A_46 = arith.constant 0 : i32
    %dma_wait3A_47 = arith.constant 0 : i32
    %dma_wait3A_48 = tpu.memref_slice %arg5[%dma_wait3A_46, %dma_wait3A_47] : memref<640x64xf32, #tpu.memory_space<hbm>> -> memref<40x16xf32, #tpu.memory_space<hbm>>
    tpu.wait_dma2 semaphore(%arg19 : memref<!tpu.dma_semaphore, #tpu.memory_space<semaphore_mem>>) src(%dma_wait3A_48 : memref<40x16xf32, #tpu.memory_space<hbm>>) dst(%dma_wait3A_45 : memref<40x16xf32, #tpu.memory_space<vmem_shared>>)
    %dma_wait3A_49 = arith.constant 0 : i32
    %dma_wait3A_50 = tpu.memref_slice %arg15[%mul3A_0, %dma_wait3A_49] : memref<10000x64xf32, #tpu.memory_space<vmem_shared>> -> memref<625x64xf32, #tpu.memory_space<vmem_shared>>
    %dma_wait3A_51 = tpu.memref_slice %arg2[%mul3A_0, %mul3A_9] : memref<10000x128xf32, #tpu.memory_space<hbm>> -> memref<625x64xf32, #tpu.memory_space<hbm>>
    tpu.wait_dma2 semaphore(%arg18 : memref<!tpu.dma_semaphore, #tpu.memory_space<semaphore_mem>>) src(%dma_wait3A_51 : memref<625x64xf32, #tpu.memory_space<hbm>>) dst(%dma_wait3A_50 : memref<625x64xf32, #tpu.memory_space<vmem_shared>>)
    %mul3A_52 = arith.constant 640 : i32
    %mul3A_53 = arith.muli %arg1, %mul3A_52 : i32
    %dma_wait3A_54 = arith.constant 0 : i32
    %dma_wait3A_55 = tpu.memref_slice %arg16[%mul3A_53, %dma_wait3A_54] : memref<10240x64xf32, #tpu.memory_space<vmem_shared>> -> memref<640x64xf32, #tpu.memory_space<vmem_shared>>
    tpu.wait_dma2 semaphore(%arg20 : memref<!tpu.dma_semaphore, #tpu.memory_space<semaphore_mem>>) src(%arg5 : memref<640x64xf32, #tpu.memory_space<hbm>>) dst(%dma_wait3A_55 : memref<640x64xf32, #tpu.memory_space<vmem_shared>>)
    %barrier3A = arith.constant 0 : index
    tpu.barrier barrier_id(%barrier3A)
    %broadcast_in_dim3A = arith.constant 1.000000e+00 : f32
    %broadcast_in_dim3A_56 = vector.broadcast %broadcast_in_dim3A : f32 to vector<16xf32>
    "tpu.region"() ({
      %run_scoped3A_94 = tpu.sem_alloc : memref<!tpu.dma_semaphore, #tpu.memory_space<semaphore_mem>>
      %dma_start3A_95 = arith.constant 0 : i32
      %dma_start3A_96 = arith.constant 0 : i32
      %dma_start3A_97 = tpu.memref_slice %arg3[%arg1, %dma_start3A_95, %dma_start3A_96] : memref<16x160x128xi32, #tpu.memory_space<hbm>> -> memref<1x4x128xi32, #tpu.memory_space<hbm>>
      %dma_start3A_98 = tpu.memref_squeeze %dma_start3A_97 : memref<1x4x128xi32, #tpu.memory_space<hbm>> -> memref<4x128xi32, #tpu.memory_space<hbm>>
      %dma_start3A_99 = arith.constant 0 : i32
      %dma_start3A_100 = arith.constant 0 : i32
      %dma_start3A_101 = tpu.memref_slice %arg3[%arg1, %dma_start3A_99, %dma_start3A_100] : memref<16x160x128xi32, #tpu.memory_space<hbm>> -> memref<1x4x128xi32, #tpu.memory_space<hbm>>
      %dma_start3A_102 = tpu.memref_squeeze %dma_start3A_101 : memref<1x4x128xi32, #tpu.memory_space<hbm>> -> memref<4x128xi32, #tpu.memory_space<hbm>>
      tpu.enqueue_dma source(%dma_start3A_102 : memref<4x128xi32, #tpu.memory_space<hbm>>) target(%arg9 : memref<4x128xi32, #tpu.memory_space<vmem>>) target_semaphore(%run_scoped3A_94 : memref<!tpu.dma_semaphore, #tpu.memory_space<semaphore_mem>>)
      %dma_wait3A_103 = arith.constant 0 : i32
      %dma_wait3A_104 = arith.constant 0 : i32
      %dma_wait3A_105 = tpu.memref_slice %arg3[%arg1, %dma_wait3A_103, %dma_wait3A_104] : memref<16x160x128xi32, #tpu.memory_space<hbm>> -> memref<1x4x128xi32, #tpu.memory_space<hbm>>
      %dma_wait3A_106 = tpu.memref_squeeze %dma_wait3A_105 : memref<1x4x128xi32, #tpu.memory_space<hbm>> -> memref<4x128xi32, #tpu.memory_space<hbm>>
      %dma_wait3A_107 = arith.constant 0 : i32
      %dma_wait3A_108 = arith.constant 0 : i32
      %dma_wait3A_109 = tpu.memref_slice %arg3[%arg1, %dma_wait3A_107, %dma_wait3A_108] : memref<16x160x128xi32, #tpu.memory_space<hbm>> -> memref<1x4x128xi32, #tpu.memory_space<hbm>>
      %dma_wait3A_110 = tpu.memref_squeeze %dma_wait3A_109 : memref<1x4x128xi32, #tpu.memory_space<hbm>> -> memref<4x128xi32, #tpu.memory_space<hbm>>
      tpu.wait_dma2 semaphore(%run_scoped3A_94 : memref<!tpu.dma_semaphore, #tpu.memory_space<semaphore_mem>>) src(%dma_wait3A_110 : memref<4x128xi32, #tpu.memory_space<hbm>>) dst(%arg9 : memref<4x128xi32, #tpu.memory_space<vmem>>)
      tpu.yield
    }) : () -> ()
    %dma_start3A_57 = arith.constant 4 : i32
    %dma_start3A_58 = arith.constant 0 : i32
    %dma_start3A_59 = tpu.memref_slice %arg3[%arg1, %dma_start3A_57, %dma_start3A_58] : memref<16x160x128xi32, #tpu.memory_space<hbm>> -> memref<1x4x128xi32, #tpu.memory_space<hbm>>
    %dma_start3A_60 = tpu.memref_squeeze %dma_start3A_59 : memref<1x4x128xi32, #tpu.memory_space<hbm>> -> memref<4x128xi32, #tpu.memory_space<hbm>>
    %dma_start3A_61 = arith.constant 4 : i32
    %dma_start3A_62 = arith.constant 0 : i32
    %dma_start3A_63 = tpu.memref_slice %arg3[%arg1, %dma_start3A_61, %dma_start3A_62] : memref<16x160x128xi32, #tpu.memory_space<hbm>> -> memref<1x4x128xi32, #tpu.memory_space<hbm>>
    %dma_start3A_64 = tpu.memref_squeeze %dma_start3A_63 : memref<1x4x128xi32, #tpu.memory_space<hbm>> -> memref<4x128xi32, #tpu.memory_space<hbm>>
    tpu.enqueue_dma source(%dma_start3A_64 : memref<4x128xi32, #tpu.memory_space<hbm>>) target(%arg10 : memref<4x128xi32, #tpu.memory_space<vmem>>) target_semaphore(%arg23 : memref<!tpu.dma_semaphore, #tpu.memory_space<semaphore_mem>>)
    %dma_start3A_65 = arith.constant 0 : i32
    %dma_start3A_66 = arith.constant 0 : i32
    %dma_start3A_67 = tpu.memref_slice %arg9[%dma_start3A_65, %dma_start3A_66] : memref<4x128xi32, #tpu.memory_space<vmem>> -> memref<1x128xi32, #tpu.memory_space<vmem>>
    %dma_start3A_68 = tpu.memref_squeeze %dma_start3A_67 : memref<1x128xi32, #tpu.memory_space<vmem>> -> memref<128xi32, #tpu.memory_space<vmem>>
    %dma_start3A_69 = arith.constant 0 : i32
    %dma_start3A_70 = arith.constant 0 : i32
    %dma_start3A_71 = tpu.memref_slice %arg15[%dma_start3A_69, %dma_start3A_70] : memref<10000x64xf32, #tpu.memory_space<vmem_shared>> -> memref<10000x64xf32, #tpu.memory_space<vmem_shared>>
    tpu.enqueue_indirect_dma source(%dma_start3A_71 : memref<10000x64xf32, #tpu.memory_space<vmem_shared>>) target(%arg11 : memref<128x64xf32, #tpu.memory_space<vmem>>) offsets(%dma_start3A_68 : memref<128xi32, #tpu.memory_space<vmem>>) semaphore(%arg18 : memref<!tpu.dma_semaphore, #tpu.memory_space<semaphore_mem>>)
    %scan3A_72 = arith.constant 0 : i32
    %scan3A_73 = arith.constant 0 : i32
    %scan3A_74 = arith.constant 20 : i32
    %scan3A_75 = arith.addi %scan3A_73, %scan3A_74 : i32
    %scan3A_76 = arith.constant 1 : i32
    scf.for %scan3A_94 = %scan3A_73 to %scan3A_75 step %scan3A_76  : i32 {
      %mul3A_95 = arith.constant 8 : i32
      %mul3A_96 = arith.muli %scan3A_94, %mul3A_95 : i32
      %add3A = arith.constant 0 : i32
      %add3A_97 = arith.addi %mul3A_96, %add3A : i32
      %dma_wait3A_98 = arith.constant 0 : i32
      %dma_wait3A_99 = arith.constant 0 : i32
      %dma_wait3A_100 = tpu.memref_slice %arg9[%dma_wait3A_98, %dma_wait3A_99] : memref<4x128xi32, #tpu.memory_space<vmem>> -> memref<1x128xi32, #tpu.memory_space<vmem>>
      %dma_wait3A_101 = tpu.memref_squeeze %dma_wait3A_100 : memref<1x128xi32, #tpu.memory_space<vmem>> -> memref<128xi32, #tpu.memory_space<vmem>>
      %dma_wait3A_102 = arith.constant 0 : i32
      %dma_wait3A_103 = arith.constant 0 : i32
      %dma_wait3A_104 = tpu.memref_slice %arg15[%dma_wait3A_102, %dma_wait3A_103] : memref<10000x64xf32, #tpu.memory_space<vmem_shared>> -> memref<10000x64xf32, #tpu.memory_space<vmem_shared>>
      tpu.wait_indirect_dma semaphore(%arg18 : memref<!tpu.dma_semaphore, #tpu.memory_space<semaphore_mem>>) src(%dma_wait3A_104 : memref<10000x64xf32, #tpu.memory_space<vmem_shared>>) dst(%arg11 : memref<128x64xf32, #tpu.memory_space<vmem>>)
      %dma_start3A_105 = arith.constant 0 : i32
      %dma_start3A_106 = tpu.memref_slice %arg8[%add3A_97, %dma_start3A_105] : memref<160x128xi32, #tpu.memory_space<vmem>> -> memref<1x128xi32, #tpu.memory_space<vmem>>
      %dma_start3A_107 = tpu.memref_squeeze %dma_start3A_106 : memref<1x128xi32, #tpu.memory_space<vmem>> -> memref<128xi32, #tpu.memory_space<vmem>>
      %dma_start3A_108 = arith.constant 0 : i32
      %dma_start3A_109 = arith.constant 0 : i32
      %dma_start3A_110 = tpu.memref_slice %arg16[%dma_start3A_108, %dma_start3A_109] : memref<10240x64xf32, #tpu.memory_space<vmem_shared>> -> memref<10240x64xf32, #tpu.memory_space<vmem_shared>>
      tpu.enqueue_indirect_dma source(%arg11 : memref<128x64xf32, #tpu.memory_space<vmem>>) target(%dma_start3A_110 : memref<10240x64xf32, #tpu.memory_space<vmem_shared>>) offsets(%dma_start3A_107 : memref<128xi32, #tpu.memory_space<vmem>>) semaphore(%arg20 : memref<!tpu.dma_semaphore, #tpu.memory_space<semaphore_mem>>) {add = true}
      %get3A = arith.index_cast %add3A_97 : i32 to index
      %get3A_111 = arith.constant 0 : index
      %get3A_112 = tpu.vector_load %arg8[%get3A, %get3A_111] {strides = array<i32>} : memref<160x128xi32, #tpu.memory_space<vmem>>, vector<16xi32>,
      %shift_right_logical3A = arith.constant 4 : i32
      %shift_right_logical3A_113 = vector.broadcast %shift_right_logical3A : i32 to vector<16xi32>
      %shift_right_logical3A_114 = arith.shrui %get3A_112, %shift_right_logical3A_113 : vector<16xi32>
      %and3A = arith.constant 15 : i32
      %and3A_115 = vector.broadcast %and3A : i32 to vector<16xi32>
      %and3A_116 = arith.andi %get3A_112, %and3A_115 : vector<16xi32>
      tpu.vector_store_idx %arg13[%shift_right_logical3A_114, %and3A_116], %broadcast_in_dim3A_56 {add = true} : memref<640x16xf32, #tpu.memory_space<vmem>>[vector<16xi32>, vector<16xi32>], vector<16xf32>,
      %get3A_117 = arith.index_cast %add3A_97 : i32 to index
      %get3A_118 = arith.constant 16 : index
      %get3A_119 = tpu.vector_load %arg8[%get3A_117, %get3A_118] {strides = array<i32>} : memref<160x128xi32, #tpu.memory_space<vmem>>, vector<16xi32>,
      %shift_right_logical3A_120 = arith.constant 4 : i32
      %shift_right_logical3A_121 = vector.broadcast %shift_right_logical3A_120 : i32 to vector<16xi32>
      %shift_right_logical3A_122 = arith.shrui %get3A_119, %shift_right_logical3A_121 : vector<16xi32>
      %and3A_123 = arith.constant 15 : i32
      %and3A_124 = vector.broadcast %and3A_123 : i32 to vector<16xi32>
      %and3A_125 = arith.andi %get3A_119, %and3A_124 : vector<16xi32>
      tpu.vector_store_idx %arg13[%shift_right_logical3A_122, %and3A_125], %broadcast_in_dim3A_56 {add = true} : memref<640x16xf32, #tpu.memory_space<vmem>>[vector<16xi32>, vector<16xi32>], vector<16xf32>,
      %get3A_126 = arith.index_cast %add3A_97 : i32 to index
      %get3A_127 = arith.constant 32 : index
      %get3A_128 = tpu.vector_load %arg8[%get3A_126, %get3A_127] {strides = array<i32>} : memref<160x128xi32, #tpu.memory_space<vmem>>, vector<16xi32>,
      %shift_right_logical3A_129 = arith.constant 4 : i32
      %shift_right_logical3A_130 = vector.broadcast %shift_right_logical3A_129 : i32 to vector<16xi32>
      %shift_right_logical3A_131 = arith.shrui %get3A_128, %shift_right_logical3A_130 : vector<16xi32>
      %and3A_132 = arith.constant 15 : i32
      %and3A_133 = vector.broadcast %and3A_132 : i32 to vector<16xi32>
      %and3A_134 = arith.andi %get3A_128, %and3A_133 : vector<16xi32>
      tpu.vector_store_idx %arg13[%shift_right_logical3A_131, %and3A_134], %broadcast_in_dim3A_56 {add = true} : memref<640x16xf32, #tpu.memory_space<vmem>>[vector<16xi32>, vector<16xi32>], vector<16xf32>,
      %get3A_135 = arith.index_cast %add3A_97 : i32 to index
      %get3A_136 = arith.constant 48 : index
      %get3A_137 = tpu.vector_load %arg8[%get3A_135, %get3A_136] {strides = array<i32>} : memref<160x128xi32, #tpu.memory_space<vmem>>, vector<16xi32>,
      %shift_right_logical3A_138 = arith.constant 4 : i32
      %shift_right_logical3A_139 = vector.broadcast %shift_right_logical3A_138 : i32 to vector<16xi32>
      %shift_right_logical3A_140 = arith.shrui %get3A_137, %shift_right_logical3A_139 : vector<16xi32>
      %and3A_141 = arith.constant 15 : i32
      %and3A_142 = vector.broadcast %and3A_141 : i32 to vector<16xi32>
      %and3A_143 = arith.andi %get3A_137, %and3A_142 : vector<16xi32>
      tpu.vector_store_idx %arg13[%shift_right_logical3A_140, %and3A_143], %broadcast_in_dim3A_56 {add = true} : memref<640x16xf32, #tpu.memory_space<vmem>>[vector<16xi32>, vector<16xi32>], vector<16xf32>,
      %get3A_144 = arith.index_cast %add3A_97 : i32 to index
      %get3A_145 = arith.constant 64 : index
      %get3A_146 = tpu.vector_load %arg8[%get3A_144, %get3A_145] {strides = array<i32>} : memref<160x128xi32, #tpu.memory_space<vmem>>, vector<16xi32>,
      %shift_right_logical3A_147 = arith.constant 4 : i32
      %shift_right_logical3A_148 = vector.broadcast %shift_right_logical3A_147 : i32 to vector<16xi32>
      %shift_right_logical3A_149 = arith.shrui %get3A_146, %shift_right_logical3A_148 : vector<16xi32>
      %and3A_150 = arith.constant 15 : i32
      %and3A_151 = vector.broadcast %and3A_150 : i32 to vector<16xi32>
      %and3A_152 = arith.andi %get3A_146, %and3A_151 : vector<16xi32>
      tpu.vector_store_idx %arg13[%shift_right_logical3A_149, %and3A_152], %broadcast_in_dim3A_56 {add = true} : memref<640x16xf32, #tpu.memory_space<vmem>>[vector<16xi32>, vector<16xi32>], vector<16xf32>,
      %get3A_153 = arith.index_cast %add3A_97 : i32 to index
      %get3A_154 = arith.constant 80 : index
      %get3A_155 = tpu.vector_load %arg8[%get3A_153, %get3A_154] {strides = array<i32>} : memref<160x128xi32, #tpu.memory_space<vmem>>, vector<16xi32>,
      %shift_right_logical3A_156 = arith.constant 4 : i32
      %shift_right_logical3A_157 = vector.broadcast %shift_right_logical3A_156 : i32 to vector<16xi32>
      %shift_right_logical3A_158 = arith.shrui %get3A_155, %shift_right_logical3A_157 : vector<16xi32>
      %and3A_159 = arith.constant 15 : i32
      %and3A_160 = vector.broadcast %and3A_159 : i32 to vector<16xi32>
      %and3A_161 = arith.andi %get3A_155, %and3A_160 : vector<16xi32>
      tpu.vector_store_idx %arg13[%shift_right_logical3A_158, %and3A_161], %broadcast_in_dim3A_56 {add = true} : memref<640x16xf32, #tpu.memory_space<vmem>>[vector<16xi32>, vector<16xi32>], vector<16xf32>,
      %get3A_162 = arith.index_cast %add3A_97 : i32 to index
      %get3A_163 = arith.constant 96 : index
      %get3A_164 = tpu.vector_load %arg8[%get3A_162, %get3A_163] {strides = array<i32>} : memref<160x128xi32, #tpu.memory_space<vmem>>, vector<16xi32>,
      %shift_right_logical3A_165 = arith.constant 4 : i32
      %shift_right_logical3A_166 = vector.broadcast %shift_right_logical3A_165 : i32 to vector<16xi32>
      %shift_right_logical3A_167 = arith.shrui %get3A_164, %shift_right_logical3A_166 : vector<16xi32>
      %and3A_168 = arith.constant 15 : i32
      %and3A_169 = vector.broadcast %and3A_168 : i32 to vector<16xi32>
      %and3A_170 = arith.andi %get3A_164, %and3A_169 : vector<16xi32>
      tpu.vector_store_idx %arg13[%shift_right_logical3A_167, %and3A_170], %broadcast_in_dim3A_56 {add = true} : memref<640x16xf32, #tpu.memory_space<vmem>>[vector<16xi32>, vector<16xi32>], vector<16xf32>,
      %get3A_171 = arith.index_cast %add3A_97 : i32 to index
      %get3A_172 = arith.constant 112 : index
      %get3A_173 = tpu.vector_load %arg8[%get3A_171, %get3A_172] {strides = array<i32>} : memref<160x128xi32, #tpu.memory_space<vmem>>, vector<16xi32>,
      %shift_right_logical3A_174 = arith.constant 4 : i32
      %shift_right_logical3A_175 = vector.broadcast %shift_right_logical3A_174 : i32 to vector<16xi32>
      %shift_right_logical3A_176 = arith.shrui %get3A_173, %shift_right_logical3A_175 : vector<16xi32>
      %and3A_177 = arith.constant 15 : i32
      %and3A_178 = vector.broadcast %and3A_177 : i32 to vector<16xi32>
      %and3A_179 = arith.andi %get3A_173, %and3A_178 : vector<16xi32>
      tpu.vector_store_idx %arg13[%shift_right_logical3A_176, %and3A_179], %broadcast_in_dim3A_56 {add = true} : memref<640x16xf32, #tpu.memory_space<vmem>>[vector<16xi32>, vector<16xi32>], vector<16xf32>,
      %ge3A = arith.constant 1 : i32
      %ge3A_180 = arith.cmpi sge, %add3A_97, %ge3A : i32
      %convert_element_type3A = arith.extui %ge3A_180 : i1 to i32
      %cond3A = arith.constant 0 : i32
      %cond3A_181 = arith.cmpi ne, %convert_element_type3A, %cond3A : i32
      scf.if %cond3A_181 {
        %sub3A = arith.constant 1 : i32
        %sub3A_917 = arith.subi %add3A_97, %sub3A : i32
        %dma_wait3A_918 = arith.constant 0 : i32
        %dma_wait3A_919 = tpu.memref_slice %arg8[%sub3A_917, %dma_wait3A_918] : memref<160x128xi32, #tpu.memory_space<vmem>> -> memref<1x128xi32, #tpu.memory_space<vmem>>
        %dma_wait3A_920 = tpu.memref_squeeze %dma_wait3A_919 : memref<1x128xi32, #tpu.memory_space<vmem>> -> memref<128xi32, #tpu.memory_space<vmem>>
        %dma_wait3A_921 = arith.constant 0 : i32
        %dma_wait3A_922 = arith.constant 0 : i32
        %dma_wait3A_923 = tpu.memref_slice %arg16[%dma_wait3A_921, %dma_wait3A_922] : memref<10240x64xf32, #tpu.memory_space<vmem_shared>> -> memref<10240x64xf32, #tpu.memory_space<vmem_shared>>
        tpu.wait_indirect_dma semaphore(%arg21 : memref<!tpu.dma_semaphore, #tpu.memory_space<semaphore_mem>>) src(%arg12 : memref<128x64xf32, #tpu.memory_space<vmem>>) dst(%dma_wait3A_923 : memref<10240x64xf32, #tpu.memory_space<vmem_shared>>)
      } else {
      }
      %add3A_182 = arith.constant 1 : i32
      %add3A_183 = arith.addi %add3A_97, %add3A_182 : i32
      %dma_start3A_184 = arith.constant 1 : i32
      %dma_start3A_185 = arith.constant 0 : i32
      %dma_start3A_186 = tpu.memref_slice %arg9[%dma_start3A_184, %dma_start3A_185] : memref<4x128xi32, #tpu.memory_space<vmem>> -> memref<1x128xi32, #tpu.memory_space<vmem>>
      %dma_start3A_187 = tpu.memref_squeeze %dma_start3A_186 : memref<1x128xi32, #tpu.memory_space<vmem>> -> memref<128xi32, #tpu.memory_space<vmem>>
      %dma_start3A_188 = arith.constant 0 : i32
      %dma_start3A_189 = arith.constant 0 : i32
      %dma_start3A_190 = tpu.memref_slice %arg15[%dma_start3A_188, %dma_start3A_189] : memref<10000x64xf32, #tpu.memory_space<vmem_shared>> -> memref<10000x64xf32, #tpu.memory_space<vmem_shared>>
      tpu.enqueue_indirect_dma source(%dma_start3A_190 : memref<10000x64xf32, #tpu.memory_space<vmem_shared>>) target(%arg12 : memref<128x64xf32, #tpu.memory_space<vmem>>) offsets(%dma_start3A_187 : memref<128xi32, #tpu.memory_space<vmem>>) semaphore(%arg19 : memref<!tpu.dma_semaphore, #tpu.memory_space<semaphore_mem>>)
      %add3A_191 = arith.constant 1 : i32
      %add3A_192 = arith.addi %mul3A_96, %add3A_191 : i32
      %dma_wait3A_193 = arith.constant 1 : i32
      %dma_wait3A_194 = arith.constant 0 : i32
      %dma_wait3A_195 = tpu.memref_slice %arg9[%dma_wait3A_193, %dma_wait3A_194] : memref<4x128xi32, #tpu.memory_space<vmem>> -> memref<1x128xi32, #tpu.memory_space<vmem>>
      %dma_wait3A_196 = tpu.memref_squeeze %dma_wait3A_195 : memref<1x128xi32, #tpu.memory_space<vmem>> -> memref<128xi32, #tpu.memory_space<vmem>>
      %dma_wait3A_197 = arith.constant 0 : i32
      %dma_wait3A_198 = arith.constant 0 : i32
      %dma_wait3A_199 = tpu.memref_slice %arg15[%dma_wait3A_197, %dma_wait3A_198] : memref<10000x64xf32, #tpu.memory_space<vmem_shared>> -> memref<10000x64xf32, #tpu.memory_space<vmem_shared>>
      tpu.wait_indirect_dma semaphore(%arg19 : memref<!tpu.dma_semaphore, #tpu.memory_space<semaphore_mem>>) src(%dma_wait3A_199 : memref<10000x64xf32, #tpu.memory_space<vmem_shared>>) dst(%arg12 : memref<128x64xf32, #tpu.memory_space<vmem>>)
      %dma_start3A_200 = arith.constant 0 : i32
      %dma_start3A_201 = tpu.memref_slice %arg8[%add3A_192, %dma_start3A_200] : memref<160x128xi32, #tpu.memory_space<vmem>> -> memref<1x128xi32, #tpu.memory_space<vmem>>
      %dma_start3A_202 = tpu.memref_squeeze %dma_start3A_201 : memref<1x128xi32, #tpu.memory_space<vmem>> -> memref<128xi32, #tpu.memory_space<vmem>>
      %dma_start3A_203 = arith.constant 0 : i32
      %dma_start3A_204 = arith.constant 0 : i32
      %dma_start3A_205 = tpu.memref_slice %arg16[%dma_start3A_203, %dma_start3A_204] : memref<10240x64xf32, #tpu.memory_space<vmem_shared>> -> memref<10240x64xf32, #tpu.memory_space<vmem_shared>>
      tpu.enqueue_indirect_dma source(%arg12 : memref<128x64xf32, #tpu.memory_space<vmem>>) target(%dma_start3A_205 : memref<10240x64xf32, #tpu.memory_space<vmem_shared>>) offsets(%dma_start3A_202 : memref<128xi32, #tpu.memory_space<vmem>>) semaphore(%arg21 : memref<!tpu.dma_semaphore, #tpu.memory_space<semaphore_mem>>) {add = true}
      %get3A_206 = arith.index_cast %add3A_192 : i32 to index
      %get3A_207 = arith.constant 0 : index
      %get3A_208 = tpu.vector_load %arg8[%get3A_206, %get3A_207] {strides = array<i32>} : memref<160x128xi32, #tpu.memory_space<vmem>>, vector<16xi32>,
      %shift_right_logical3A_209 = arith.constant 4 : i32
      %shift_right_logical3A_210 = vector.broadcast %shift_right_logical3A_209 : i32 to vector<16xi32>
      %shift_right_logical3A_211 = arith.shrui %get3A_208, %shift_right_logical3A_210 : vector<16xi32>
      %and3A_212 = arith.constant 15 : i32
      %and3A_213 = vector.broadcast %and3A_212 : i32 to vector<16xi32>
      %and3A_214 = arith.andi %get3A_208, %and3A_213 : vector<16xi32>
      tpu.vector_store_idx %arg13[%shift_right_logical3A_211, %and3A_214], %broadcast_in_dim3A_56 {add = true} : memref<640x16xf32, #tpu.memory_space<vmem>>[vector<16xi32>, vector<16xi32>], vector<16xf32>,
      %get3A_215 = arith.index_cast %add3A_192 : i32 to index
      %get3A_216 = arith.constant 16 : index
      %get3A_217 = tpu.vector_load %arg8[%get3A_215, %get3A_216] {strides = array<i32>} : memref<160x128xi32, #tpu.memory_space<vmem>>, vector<16xi32>,
      %shift_right_logical3A_218 = arith.constant 4 : i32
      %shift_right_logical3A_219 = vector.broadcast %shift_right_logical3A_218 : i32 to vector<16xi32>
      %shift_right_logical3A_220 = arith.shrui %get3A_217, %shift_right_logical3A_219 : vector<16xi32>
      %and3A_221 = arith.constant 15 : i32
      %and3A_222 = vector.broadcast %and3A_221 : i32 to vector<16xi32>
      %and3A_223 = arith.andi %get3A_217, %and3A_222 : vector<16xi32>
      tpu.vector_store_idx %arg13[%shift_right_logical3A_220, %and3A_223], %broadcast_in_dim3A_56 {add = true} : memref<640x16xf32, #tpu.memory_space<vmem>>[vector<16xi32>, vector<16xi32>], vector<16xf32>,
      %get3A_224 = arith.index_cast %add3A_192 : i32 to index
      %get3A_225 = arith.constant 32 : index
      %get3A_226 = tpu.vector_load %arg8[%get3A_224, %get3A_225] {strides = array<i32>} : memref<160x128xi32, #tpu.memory_space<vmem>>, vector<16xi32>,
      %shift_right_logical3A_227 = arith.constant 4 : i32
      %shift_right_logical3A_228 = vector.broadcast %shift_right_logical3A_227 : i32 to vector<16xi32>
      %shift_right_logical3A_229 = arith.shrui %get3A_226, %shift_right_logical3A_228 : vector<16xi32>
      %and3A_230 = arith.constant 15 : i32
      %and3A_231 = vector.broadcast %and3A_230 : i32 to vector<16xi32>
      %and3A_232 = arith.andi %get3A_226, %and3A_231 : vector<16xi32>
      tpu.vector_store_idx %arg13[%shift_right_logical3A_229, %and3A_232], %broadcast_in_dim3A_56 {add = true} : memref<640x16xf32, #tpu.memory_space<vmem>>[vector<16xi32>, vector<16xi32>], vector<16xf32>,
      %get3A_233 = arith.index_cast %add3A_192 : i32 to index
      %get3A_234 = arith.constant 48 : index
      %get3A_235 = tpu.vector_load %arg8[%get3A_233, %get3A_234] {strides = array<i32>} : memref<160x128xi32, #tpu.memory_space<vmem>>, vector<16xi32>,
      %shift_right_logical3A_236 = arith.constant 4 : i32
      %shift_right_logical3A_237 = vector.broadcast %shift_right_logical3A_236 : i32 to vector<16xi32>
      %shift_right_logical3A_238 = arith.shrui %get3A_235, %shift_right_logical3A_237 : vector<16xi32>
      %and3A_239 = arith.constant 15 : i32
      %and3A_240 = vector.broadcast %and3A_239 : i32 to vector<16xi32>
      %and3A_241 = arith.andi %get3A_235, %and3A_240 : vector<16xi32>
      tpu.vector_store_idx %arg13[%shift_right_logical3A_238, %and3A_241], %broadcast_in_dim3A_56 {add = true} : memref<640x16xf32, #tpu.memory_space<vmem>>[vector<16xi32>, vector<16xi32>], vector<16xf32>,
      %get3A_242 = arith.index_cast %add3A_192 : i32 to index
      %get3A_243 = arith.constant 64 : index
      %get3A_244 = tpu.vector_load %arg8[%get3A_242, %get3A_243] {strides = array<i32>} : memref<160x128xi32, #tpu.memory_space<vmem>>, vector<16xi32>,
      %shift_right_logical3A_245 = arith.constant 4 : i32
      %shift_right_logical3A_246 = vector.broadcast %shift_right_logical3A_245 : i32 to vector<16xi32>
      %shift_right_logical3A_247 = arith.shrui %get3A_244, %shift_right_logical3A_246 : vector<16xi32>
      %and3A_248 = arith.constant 15 : i32
      %and3A_249 = vector.broadcast %and3A_248 : i32 to vector<16xi32>
      %and3A_250 = arith.andi %get3A_244, %and3A_249 : vector<16xi32>
      tpu.vector_store_idx %arg13[%shift_right_logical3A_247, %and3A_250], %broadcast_in_dim3A_56 {add = true} : memref<640x16xf32, #tpu.memory_space<vmem>>[vector<16xi32>, vector<16xi32>], vector<16xf32>,
      %get3A_251 = arith.index_cast %add3A_192 : i32 to index
      %get3A_252 = arith.constant 80 : index
      %get3A_253 = tpu.vector_load %arg8[%get3A_251, %get3A_252] {strides = array<i32>} : memref<160x128xi32, #tpu.memory_space<vmem>>, vector<16xi32>,
      %shift_right_logical3A_254 = arith.constant 4 : i32
      %shift_right_logical3A_255 = vector.broadcast %shift_right_logical3A_254 : i32 to vector<16xi32>
      %shift_right_logical3A_256 = arith.shrui %get3A_253, %shift_right_logical3A_255 : vector<16xi32>
      %and3A_257 = arith.constant 15 : i32
      %and3A_258 = vector.broadcast %and3A_257 : i32 to vector<16xi32>
      %and3A_259 = arith.andi %get3A_253, %and3A_258 : vector<16xi32>
      tpu.vector_store_idx %arg13[%shift_right_logical3A_256, %and3A_259], %broadcast_in_dim3A_56 {add = true} : memref<640x16xf32, #tpu.memory_space<vmem>>[vector<16xi32>, vector<16xi32>], vector<16xf32>,
      %get3A_260 = arith.index_cast %add3A_192 : i32 to index
      %get3A_261 = arith.constant 96 : index
      %get3A_262 = tpu.vector_load %arg8[%get3A_260, %get3A_261] {strides = array<i32>} : memref<160x128xi32, #tpu.memory_space<vmem>>, vector<16xi32>,
      %shift_right_logical3A_263 = arith.constant 4 : i32
      %shift_right_logical3A_264 = vector.broadcast %shift_right_logical3A_263 : i32 to vector<16xi32>
      %shift_right_logical3A_265 = arith.shrui %get3A_262, %shift_right_logical3A_264 : vector<16xi32>
      %and3A_266 = arith.constant 15 : i32
      %and3A_267 = vector.broadcast %and3A_266 : i32 to vector<16xi32>
      %and3A_268 = arith.andi %get3A_262, %and3A_267 : vector<16xi32>
      tpu.vector_store_idx %arg13[%shift_right_logical3A_265, %and3A_268], %broadcast_in_dim3A_56 {add = true} : memref<640x16xf32, #tpu.memory_space<vmem>>[vector<16xi32>, vector<16xi32>], vector<16xf32>,
      %get3A_269 = arith.index_cast %add3A_192 : i32 to index
      %get3A_270 = arith.constant 112 : index
      %get3A_271 = tpu.vector_load %arg8[%get3A_269, %get3A_270] {strides = array<i32>} : memref<160x128xi32, #tpu.memory_space<vmem>>, vector<16xi32>,
      %shift_right_logical3A_272 = arith.constant 4 : i32
      %shift_right_logical3A_273 = vector.broadcast %shift_right_logical3A_272 : i32 to vector<16xi32>
      %shift_right_logical3A_274 = arith.shrui %get3A_271, %shift_right_logical3A_273 : vector<16xi32>
      %and3A_275 = arith.constant 15 : i32
      %and3A_276 = vector.broadcast %and3A_275 : i32 to vector<16xi32>
      %and3A_277 = arith.andi %get3A_271, %and3A_276 : vector<16xi32>
      tpu.vector_store_idx %arg13[%shift_right_logical3A_274, %and3A_277], %broadcast_in_dim3A_56 {add = true} : memref<640x16xf32, #tpu.memory_space<vmem>>[vector<16xi32>, vector<16xi32>], vector<16xf32>,
      %ge3A_278 = arith.constant 1 : i32
      %ge3A_279 = arith.cmpi sge, %add3A_192, %ge3A_278 : i32
      %convert_element_type3A_280 = arith.extui %ge3A_279 : i1 to i32
      %cond3A_281 = arith.constant 0 : i32
      %cond3A_282 = arith.cmpi ne, %convert_element_type3A_280, %cond3A_281 : i32
      scf.if %cond3A_282 {
        %sub3A = arith.constant 1 : i32
        %sub3A_917 = arith.subi %add3A_192, %sub3A : i32
        %dma_wait3A_918 = arith.constant 0 : i32
        %dma_wait3A_919 = tpu.memref_slice %arg8[%sub3A_917, %dma_wait3A_918] : memref<160x128xi32, #tpu.memory_space<vmem>> -> memref<1x128xi32, #tpu.memory_space<vmem>>
        %dma_wait3A_920 = tpu.memref_squeeze %dma_wait3A_919 : memref<1x128xi32, #tpu.memory_space<vmem>> -> memref<128xi32, #tpu.memory_space<vmem>>
        %dma_wait3A_921 = arith.constant 0 : i32
        %dma_wait3A_922 = arith.constant 0 : i32
        %dma_wait3A_923 = tpu.memref_slice %arg16[%dma_wait3A_921, %dma_wait3A_922] : memref<10240x64xf32, #tpu.memory_space<vmem_shared>> -> memref<10240x64xf32, #tpu.memory_space<vmem_shared>>
        tpu.wait_indirect_dma semaphore(%arg20 : memref<!tpu.dma_semaphore, #tpu.memory_space<semaphore_mem>>) src(%arg11 : memref<128x64xf32, #tpu.memory_space<vmem>>) dst(%dma_wait3A_923 : memref<10240x64xf32, #tpu.memory_space<vmem_shared>>)
      } else {
      }
      %add3A_283 = arith.constant 1 : i32
      %add3A_284 = arith.addi %add3A_192, %add3A_283 : i32
      %dma_start3A_285 = arith.constant 2 : i32
      %dma_start3A_286 = arith.constant 0 : i32
      %dma_start3A_287 = tpu.memref_slice %arg9[%dma_start3A_285, %dma_start3A_286] : memref<4x128xi32, #tpu.memory_space<vmem>> -> memref<1x128xi32, #tpu.memory_space<vmem>>
      %dma_start3A_288 = tpu.memref_squeeze %dma_start3A_287 : memref<1x128xi32, #tpu.memory_space<vmem>> -> memref<128xi32, #tpu.memory_space<vmem>>
      %dma_start3A_289 = arith.constant 0 : i32
      %dma_start3A_290 = arith.constant 0 : i32
      %dma_start3A_291 = tpu.memref_slice %arg15[%dma_start3A_289, %dma_start3A_290] : memref<10000x64xf32, #tpu.memory_space<vmem_shared>> -> memref<10000x64xf32, #tpu.memory_space<vmem_shared>>
      tpu.enqueue_indirect_dma source(%dma_start3A_291 : memref<10000x64xf32, #tpu.memory_space<vmem_shared>>) target(%arg11 : memref<128x64xf32, #tpu.memory_space<vmem>>) offsets(%dma_start3A_288 : memref<128xi32, #tpu.memory_space<vmem>>) semaphore(%arg18 : memref<!tpu.dma_semaphore, #tpu.memory_space<semaphore_mem>>)
      %add3A_292 = arith.constant 2 : i32
      %add3A_293 = arith.addi %mul3A_96, %add3A_292 : i32
      %dma_wait3A_294 = arith.constant 2 : i32
      %dma_wait3A_295 = arith.constant 0 : i32
      %dma_wait3A_296 = tpu.memref_slice %arg9[%dma_wait3A_294, %dma_wait3A_295] : memref<4x128xi32, #tpu.memory_space<vmem>> -> memref<1x128xi32, #tpu.memory_space<vmem>>
      %dma_wait3A_297 = tpu.memref_squeeze %dma_wait3A_296 : memref<1x128xi32, #tpu.memory_space<vmem>> -> memref<128xi32, #tpu.memory_space<vmem>>
      %dma_wait3A_298 = arith.constant 0 : i32
      %dma_wait3A_299 = arith.constant 0 : i32
      %dma_wait3A_300 = tpu.memref_slice %arg15[%dma_wait3A_298, %dma_wait3A_299] : memref<10000x64xf32, #tpu.memory_space<vmem_shared>> -> memref<10000x64xf32, #tpu.memory_space<vmem_shared>>
      tpu.wait_indirect_dma semaphore(%arg18 : memref<!tpu.dma_semaphore, #tpu.memory_space<semaphore_mem>>) src(%dma_wait3A_300 : memref<10000x64xf32, #tpu.memory_space<vmem_shared>>) dst(%arg11 : memref<128x64xf32, #tpu.memory_space<vmem>>)
      %dma_start3A_301 = arith.constant 0 : i32
      %dma_start3A_302 = tpu.memref_slice %arg8[%add3A_293, %dma_start3A_301] : memref<160x128xi32, #tpu.memory_space<vmem>> -> memref<1x128xi32, #tpu.memory_space<vmem>>
      %dma_start3A_303 = tpu.memref_squeeze %dma_start3A_302 : memref<1x128xi32, #tpu.memory_space<vmem>> -> memref<128xi32, #tpu.memory_space<vmem>>
      %dma_start3A_304 = arith.constant 0 : i32
      %dma_start3A_305 = arith.constant 0 : i32
      %dma_start3A_306 = tpu.memref_slice %arg16[%dma_start3A_304, %dma_start3A_305] : memref<10240x64xf32, #tpu.memory_space<vmem_shared>> -> memref<10240x64xf32, #tpu.memory_space<vmem_shared>>
      tpu.enqueue_indirect_dma source(%arg11 : memref<128x64xf32, #tpu.memory_space<vmem>>) target(%dma_start3A_306 : memref<10240x64xf32, #tpu.memory_space<vmem_shared>>) offsets(%dma_start3A_303 : memref<128xi32, #tpu.memory_space<vmem>>) semaphore(%arg20 : memref<!tpu.dma_semaphore, #tpu.memory_space<semaphore_mem>>) {add = true}
      %get3A_307 = arith.index_cast %add3A_293 : i32 to index
      %get3A_308 = arith.constant 0 : index
      %get3A_309 = tpu.vector_load %arg8[%get3A_307, %get3A_308] {strides = array<i32>} : memref<160x128xi32, #tpu.memory_space<vmem>>, vector<16xi32>,
      %shift_right_logical3A_310 = arith.constant 4 : i32
      %shift_right_logical3A_311 = vector.broadcast %shift_right_logical3A_310 : i32 to vector<16xi32>
      %shift_right_logical3A_312 = arith.shrui %get3A_309, %shift_right_logical3A_311 : vector<16xi32>
      %and3A_313 = arith.constant 15 : i32
      %and3A_314 = vector.broadcast %and3A_313 : i32 to vector<16xi32>
      %and3A_315 = arith.andi %get3A_309, %and3A_314 : vector<16xi32>
      tpu.vector_store_idx %arg13[%shift_right_logical3A_312, %and3A_315], %broadcast_in_dim3A_56 {add = true} : memref<640x16xf32, #tpu.memory_space<vmem>>[vector<16xi32>, vector<16xi32>], vector<16xf32>,
      %get3A_316 = arith.index_cast %add3A_293 : i32 to index
      %get3A_317 = arith.constant 16 : index
      %get3A_318 = tpu.vector_load %arg8[%get3A_316, %get3A_317] {strides = array<i32>} : memref<160x128xi32, #tpu.memory_space<vmem>>, vector<16xi32>,
      %shift_right_logical3A_319 = arith.constant 4 : i32
      %shift_right_logical3A_320 = vector.broadcast %shift_right_logical3A_319 : i32 to vector<16xi32>
      %shift_right_logical3A_321 = arith.shrui %get3A_318, %shift_right_logical3A_320 : vector<16xi32>
      %and3A_322 = arith.constant 15 : i32
      %and3A_323 = vector.broadcast %and3A_322 : i32 to vector<16xi32>
      %and3A_324 = arith.andi %get3A_318, %and3A_323 : vector<16xi32>
      tpu.vector_store_idx %arg13[%shift_right_logical3A_321, %and3A_324], %broadcast_in_dim3A_56 {add = true} : memref<640x16xf32, #tpu.memory_space<vmem>>[vector<16xi32>, vector<16xi32>], vector<16xf32>,
      %get3A_325 = arith.index_cast %add3A_293 : i32 to index
      %get3A_326 = arith.constant 32 : index
      %get3A_327 = tpu.vector_load %arg8[%get3A_325, %get3A_326] {strides = array<i32>} : memref<160x128xi32, #tpu.memory_space<vmem>>, vector<16xi32>,
      %shift_right_logical3A_328 = arith.constant 4 : i32
      %shift_right_logical3A_329 = vector.broadcast %shift_right_logical3A_328 : i32 to vector<16xi32>
      %shift_right_logical3A_330 = arith.shrui %get3A_327, %shift_right_logical3A_329 : vector<16xi32>
      %and3A_331 = arith.constant 15 : i32
      %and3A_332 = vector.broadcast %and3A_331 : i32 to vector<16xi32>
      %and3A_333 = arith.andi %get3A_327, %and3A_332 : vector<16xi32>
      tpu.vector_store_idx %arg13[%shift_right_logical3A_330, %and3A_333], %broadcast_in_dim3A_56 {add = true} : memref<640x16xf32, #tpu.memory_space<vmem>>[vector<16xi32>, vector<16xi32>], vector<16xf32>,
      %get3A_334 = arith.index_cast %add3A_293 : i32 to index
      %get3A_335 = arith.constant 48 : index
      %get3A_336 = tpu.vector_load %arg8[%get3A_334, %get3A_335] {strides = array<i32>} : memref<160x128xi32, #tpu.memory_space<vmem>>, vector<16xi32>,
      %shift_right_logical3A_337 = arith.constant 4 : i32
      %shift_right_logical3A_338 = vector.broadcast %shift_right_logical3A_337 : i32 to vector<16xi32>
      %shift_right_logical3A_339 = arith.shrui %get3A_336, %shift_right_logical3A_338 : vector<16xi32>
      %and3A_340 = arith.constant 15 : i32
      %and3A_341 = vector.broadcast %and3A_340 : i32 to vector<16xi32>
      %and3A_342 = arith.andi %get3A_336, %and3A_341 : vector<16xi32>
      tpu.vector_store_idx %arg13[%shift_right_logical3A_339, %and3A_342], %broadcast_in_dim3A_56 {add = true} : memref<640x16xf32, #tpu.memory_space<vmem>>[vector<16xi32>, vector<16xi32>], vector<16xf32>,
      %get3A_343 = arith.index_cast %add3A_293 : i32 to index
      %get3A_344 = arith.constant 64 : index
      %get3A_345 = tpu.vector_load %arg8[%get3A_343, %get3A_344] {strides = array<i32>} : memref<160x128xi32, #tpu.memory_space<vmem>>, vector<16xi32>,
      %shift_right_logical3A_346 = arith.constant 4 : i32
      %shift_right_logical3A_347 = vector.broadcast %shift_right_logical3A_346 : i32 to vector<16xi32>
      %shift_right_logical3A_348 = arith.shrui %get3A_345, %shift_right_logical3A_347 : vector<16xi32>
      %and3A_349 = arith.constant 15 : i32
      %and3A_350 = vector.broadcast %and3A_349 : i32 to vector<16xi32>
      %and3A_351 = arith.andi %get3A_345, %and3A_350 : vector<16xi32>
      tpu.vector_store_idx %arg13[%shift_right_logical3A_348, %and3A_351], %broadcast_in_dim3A_56 {add = true} : memref<640x16xf32, #tpu.memory_space<vmem>>[vector<16xi32>, vector<16xi32>], vector<16xf32>,
      %get3A_352 = arith.index_cast %add3A_293 : i32 to index
      %get3A_353 = arith.constant 80 : index
      %get3A_354 = tpu.vector_load %arg8[%get3A_352, %get3A_353] {strides = array<i32>} : memref<160x128xi32, #tpu.memory_space<vmem>>, vector<16xi32>,
      %shift_right_logical3A_355 = arith.constant 4 : i32
      %shift_right_logical3A_356 = vector.broadcast %shift_right_logical3A_355 : i32 to vector<16xi32>
      %shift_right_logical3A_357 = arith.shrui %get3A_354, %shift_right_logical3A_356 : vector<16xi32>
      %and3A_358 = arith.constant 15 : i32
      %and3A_359 = vector.broadcast %and3A_358 : i32 to vector<16xi32>
      %and3A_360 = arith.andi %get3A_354, %and3A_359 : vector<16xi32>
      tpu.vector_store_idx %arg13[%shift_right_logical3A_357, %and3A_360], %broadcast_in_dim3A_56 {add = true} : memref<640x16xf32, #tpu.memory_space<vmem>>[vector<16xi32>, vector<16xi32>], vector<16xf32>,
      %get3A_361 = arith.index_cast %add3A_293 : i32 to index
      %get3A_362 = arith.constant 96 : index
      %get3A_363 = tpu.vector_load %arg8[%get3A_361, %get3A_362] {strides = array<i32>} : memref<160x128xi32, #tpu.memory_space<vmem>>, vector<16xi32>,
      %shift_right_logical3A_364 = arith.constant 4 : i32
      %shift_right_logical3A_365 = vector.broadcast %shift_right_logical3A_364 : i32 to vector<16xi32>
      %shift_right_logical3A_366 = arith.shrui %get3A_363, %shift_right_logical3A_365 : vector<16xi32>
      %and3A_367 = arith.constant 15 : i32
      %and3A_368 = vector.broadcast %and3A_367 : i32 to vector<16xi32>
      %and3A_369 = arith.andi %get3A_363, %and3A_368 : vector<16xi32>
      tpu.vector_store_idx %arg13[%shift_right_logical3A_366, %and3A_369], %broadcast_in_dim3A_56 {add = true} : memref<640x16xf32, #tpu.memory_space<vmem>>[vector<16xi32>, vector<16xi32>], vector<16xf32>,
      %get3A_370 = arith.index_cast %add3A_293 : i32 to index
      %get3A_371 = arith.constant 112 : index
      %get3A_372 = tpu.vector_load %arg8[%get3A_370, %get3A_371] {strides = array<i32>} : memref<160x128xi32, #tpu.memory_space<vmem>>, vector<16xi32>,
      %shift_right_logical3A_373 = arith.constant 4 : i32
      %shift_right_logical3A_374 = vector.broadcast %shift_right_logical3A_373 : i32 to vector<16xi32>
      %shift_right_logical3A_375 = arith.shrui %get3A_372, %shift_right_logical3A_374 : vector<16xi32>
      %and3A_376 = arith.constant 15 : i32
      %and3A_377 = vector.broadcast %and3A_376 : i32 to vector<16xi32>
      %and3A_378 = arith.andi %get3A_372, %and3A_377 : vector<16xi32>
      tpu.vector_store_idx %arg13[%shift_right_logical3A_375, %and3A_378], %broadcast_in_dim3A_56 {add = true} : memref<640x16xf32, #tpu.memory_space<vmem>>[vector<16xi32>, vector<16xi32>], vector<16xf32>,
      %ge3A_379 = arith.constant 1 : i32
      %ge3A_380 = arith.cmpi sge, %add3A_293, %ge3A_379 : i32
      %convert_element_type3A_381 = arith.extui %ge3A_380 : i1 to i32
      %cond3A_382 = arith.constant 0 : i32
      %cond3A_383 = arith.cmpi ne, %convert_element_type3A_381, %cond3A_382 : i32
      scf.if %cond3A_383 {
        %sub3A = arith.constant 1 : i32
        %sub3A_917 = arith.subi %add3A_293, %sub3A : i32
        %dma_wait3A_918 = arith.constant 0 : i32
        %dma_wait3A_919 = tpu.memref_slice %arg8[%sub3A_917, %dma_wait3A_918] : memref<160x128xi32, #tpu.memory_space<vmem>> -> memref<1x128xi32, #tpu.memory_space<vmem>>
        %dma_wait3A_920 = tpu.memref_squeeze %dma_wait3A_919 : memref<1x128xi32, #tpu.memory_space<vmem>> -> memref<128xi32, #tpu.memory_space<vmem>>
        %dma_wait3A_921 = arith.constant 0 : i32
        %dma_wait3A_922 = arith.constant 0 : i32
        %dma_wait3A_923 = tpu.memref_slice %arg16[%dma_wait3A_921, %dma_wait3A_922] : memref<10240x64xf32, #tpu.memory_space<vmem_shared>> -> memref<10240x64xf32, #tpu.memory_space<vmem_shared>>
        tpu.wait_indirect_dma semaphore(%arg21 : memref<!tpu.dma_semaphore, #tpu.memory_space<semaphore_mem>>) src(%arg12 : memref<128x64xf32, #tpu.memory_space<vmem>>) dst(%dma_wait3A_923 : memref<10240x64xf32, #tpu.memory_space<vmem_shared>>)
      } else {
      }
      %add3A_384 = arith.constant 1 : i32
      %add3A_385 = arith.addi %add3A_293, %add3A_384 : i32
      %dma_start3A_386 = arith.constant 3 : i32
      %dma_start3A_387 = arith.constant 0 : i32
      %dma_start3A_388 = tpu.memref_slice %arg9[%dma_start3A_386, %dma_start3A_387] : memref<4x128xi32, #tpu.memory_space<vmem>> -> memref<1x128xi32, #tpu.memory_space<vmem>>
      %dma_start3A_389 = tpu.memref_squeeze %dma_start3A_388 : memref<1x128xi32, #tpu.memory_space<vmem>> -> memref<128xi32, #tpu.memory_space<vmem>>
      %dma_start3A_390 = arith.constant 0 : i32
      %dma_start3A_391 = arith.constant 0 : i32
      %dma_start3A_392 = tpu.memref_slice %arg15[%dma_start3A_390, %dma_start3A_391] : memref<10000x64xf32, #tpu.memory_space<vmem_shared>> -> memref<10000x64xf32, #tpu.memory_space<vmem_shared>>
      tpu.enqueue_indirect_dma source(%dma_start3A_392 : memref<10000x64xf32, #tpu.memory_space<vmem_shared>>) target(%arg12 : memref<128x64xf32, #tpu.memory_space<vmem>>) offsets(%dma_start3A_389 : memref<128xi32, #tpu.memory_space<vmem>>) semaphore(%arg19 : memref<!tpu.dma_semaphore, #tpu.memory_space<semaphore_mem>>)
      %add3A_393 = arith.constant 3 : i32
      %add3A_394 = arith.addi %mul3A_96, %add3A_393 : i32
      %dma_wait3A_395 = arith.constant 3 : i32
      %dma_wait3A_396 = arith.constant 0 : i32
      %dma_wait3A_397 = tpu.memref_slice %arg9[%dma_wait3A_395, %dma_wait3A_396] : memref<4x128xi32, #tpu.memory_space<vmem>> -> memref<1x128xi32, #tpu.memory_space<vmem>>
      %dma_wait3A_398 = tpu.memref_squeeze %dma_wait3A_397 : memref<1x128xi32, #tpu.memory_space<vmem>> -> memref<128xi32, #tpu.memory_space<vmem>>
      %dma_wait3A_399 = arith.constant 0 : i32
      %dma_wait3A_400 = arith.constant 0 : i32
      %dma_wait3A_401 = tpu.memref_slice %arg15[%dma_wait3A_399, %dma_wait3A_400] : memref<10000x64xf32, #tpu.memory_space<vmem_shared>> -> memref<10000x64xf32, #tpu.memory_space<vmem_shared>>
      tpu.wait_indirect_dma semaphore(%arg19 : memref<!tpu.dma_semaphore, #tpu.memory_space<semaphore_mem>>) src(%dma_wait3A_401 : memref<10000x64xf32, #tpu.memory_space<vmem_shared>>) dst(%arg12 : memref<128x64xf32, #tpu.memory_space<vmem>>)
      %lt3A = arith.constant 19 : i32
      %lt3A_402 = arith.cmpi slt, %scan3A_94, %lt3A : i32
      %convert_element_type3A_403 = arith.extui %lt3A_402 : i1 to i32
      %cond3A_404 = arith.constant 0 : i32
      %cond3A_405 = arith.cmpi ne, %convert_element_type3A_403, %cond3A_404 : i32
      scf.if %cond3A_405 {
        %mul3A_917 = arith.constant 2 : i32
        %mul3A_918 = arith.muli %mul3A_917, %scan3A_94 : i32
        %add3A_919 = arith.constant 2 : i32
        %add3A_920 = arith.addi %mul3A_918, %add3A_919 : i32
        %mul3A_921 = arith.constant 4 : i32
        %mul3A_922 = arith.muli %add3A_920, %mul3A_921 : i32
        %dma_start3A_923 = arith.constant 0 : i32
        %dma_start3A_924 = tpu.memref_slice %arg3[%arg1, %mul3A_922, %dma_start3A_923] : memref<16x160x128xi32, #tpu.memory_space<hbm>> -> memref<1x4x128xi32, #tpu.memory_space<hbm>>
        %dma_start3A_925 = tpu.memref_squeeze %dma_start3A_924 : memref<1x4x128xi32, #tpu.memory_space<hbm>> -> memref<4x128xi32, #tpu.memory_space<hbm>>
        %dma_start3A_926 = arith.constant 0 : i32
        %dma_start3A_927 = tpu.memref_slice %arg3[%arg1, %mul3A_922, %dma_start3A_926] : memref<16x160x128xi32, #tpu.memory_space<hbm>> -> memref<1x4x128xi32, #tpu.memory_space<hbm>>
        %dma_start3A_928 = tpu.memref_squeeze %dma_start3A_927 : memref<1x4x128xi32, #tpu.memory_space<hbm>> -> memref<4x128xi32, #tpu.memory_space<hbm>>
        tpu.enqueue_dma source(%dma_start3A_928 : memref<4x128xi32, #tpu.memory_space<hbm>>) target(%arg9 : memref<4x128xi32, #tpu.memory_space<vmem>>) target_semaphore(%arg22 : memref<!tpu.dma_semaphore, #tpu.memory_space<semaphore_mem>>)
      } else {
      }
      %dma_start3A_406 = arith.constant 0 : i32
      %dma_start3A_407 = tpu.memref_slice %arg8[%add3A_394, %dma_start3A_406] : memref<160x128xi32, #tpu.memory_space<vmem>> -> memref<1x128xi32, #tpu.memory_space<vmem>>
      %dma_start3A_408 = tpu.memref_squeeze %dma_start3A_407 : memref<1x128xi32, #tpu.memory_space<vmem>> -> memref<128xi32, #tpu.memory_space<vmem>>
      %dma_start3A_409 = arith.constant 0 : i32
      %dma_start3A_410 = arith.constant 0 : i32
      %dma_start3A_411 = tpu.memref_slice %arg16[%dma_start3A_409, %dma_start3A_410] : memref<10240x64xf32, #tpu.memory_space<vmem_shared>> -> memref<10240x64xf32, #tpu.memory_space<vmem_shared>>
      tpu.enqueue_indirect_dma source(%arg12 : memref<128x64xf32, #tpu.memory_space<vmem>>) target(%dma_start3A_411 : memref<10240x64xf32, #tpu.memory_space<vmem_shared>>) offsets(%dma_start3A_408 : memref<128xi32, #tpu.memory_space<vmem>>) semaphore(%arg21 : memref<!tpu.dma_semaphore, #tpu.memory_space<semaphore_mem>>) {add = true}
      %get3A_412 = arith.index_cast %add3A_394 : i32 to index
      %get3A_413 = arith.constant 0 : index
      %get3A_414 = tpu.vector_load %arg8[%get3A_412, %get3A_413] {strides = array<i32>} : memref<160x128xi32, #tpu.memory_space<vmem>>, vector<16xi32>,
      %shift_right_logical3A_415 = arith.constant 4 : i32
      %shift_right_logical3A_416 = vector.broadcast %shift_right_logical3A_415 : i32 to vector<16xi32>
      %shift_right_logical3A_417 = arith.shrui %get3A_414, %shift_right_logical3A_416 : vector<16xi32>
      %and3A_418 = arith.constant 15 : i32
      %and3A_419 = vector.broadcast %and3A_418 : i32 to vector<16xi32>
      %and3A_420 = arith.andi %get3A_414, %and3A_419 : vector<16xi32>
      tpu.vector_store_idx %arg13[%shift_right_logical3A_417, %and3A_420], %broadcast_in_dim3A_56 {add = true} : memref<640x16xf32, #tpu.memory_space<vmem>>[vector<16xi32>, vector<16xi32>], vector<16xf32>,
      %get3A_421 = arith.index_cast %add3A_394 : i32 to index
      %get3A_422 = arith.constant 16 : index
      %get3A_423 = tpu.vector_load %arg8[%get3A_421, %get3A_422] {strides = array<i32>} : memref<160x128xi32, #tpu.memory_space<vmem>>, vector<16xi32>,
      %shift_right_logical3A_424 = arith.constant 4 : i32
      %shift_right_logical3A_425 = vector.broadcast %shift_right_logical3A_424 : i32 to vector<16xi32>
      %shift_right_logical3A_426 = arith.shrui %get3A_423, %shift_right_logical3A_425 : vector<16xi32>
      %and3A_427 = arith.constant 15 : i32
      %and3A_428 = vector.broadcast %and3A_427 : i32 to vector<16xi32>
      %and3A_429 = arith.andi %get3A_423, %and3A_428 : vector<16xi32>
      tpu.vector_store_idx %arg13[%shift_right_logical3A_426, %and3A_429], %broadcast_in_dim3A_56 {add = true} : memref<640x16xf32, #tpu.memory_space<vmem>>[vector<16xi32>, vector<16xi32>], vector<16xf32>,
      %get3A_430 = arith.index_cast %add3A_394 : i32 to index
      %get3A_431 = arith.constant 32 : index
      %get3A_432 = tpu.vector_load %arg8[%get3A_430, %get3A_431] {strides = array<i32>} : memref<160x128xi32, #tpu.memory_space<vmem>>, vector<16xi32>,
      %shift_right_logical3A_433 = arith.constant 4 : i32
      %shift_right_logical3A_434 = vector.broadcast %shift_right_logical3A_433 : i32 to vector<16xi32>
      %shift_right_logical3A_435 = arith.shrui %get3A_432, %shift_right_logical3A_434 : vector<16xi32>
      %and3A_436 = arith.constant 15 : i32
      %and3A_437 = vector.broadcast %and3A_436 : i32 to vector<16xi32>
      %and3A_438 = arith.andi %get3A_432, %and3A_437 : vector<16xi32>
      tpu.vector_store_idx %arg13[%shift_right_logical3A_435, %and3A_438], %broadcast_in_dim3A_56 {add = true} : memref<640x16xf32, #tpu.memory_space<vmem>>[vector<16xi32>, vector<16xi32>], vector<16xf32>,
      %get3A_439 = arith.index_cast %add3A_394 : i32 to index
      %get3A_440 = arith.constant 48 : index
      %get3A_441 = tpu.vector_load %arg8[%get3A_439, %get3A_440] {strides = array<i32>} : memref<160x128xi32, #tpu.memory_space<vmem>>, vector<16xi32>,
      %shift_right_logical3A_442 = arith.constant 4 : i32
      %shift_right_logical3A_443 = vector.broadcast %shift_right_logical3A_442 : i32 to vector<16xi32>
      %shift_right_logical3A_444 = arith.shrui %get3A_441, %shift_right_logical3A_443 : vector<16xi32>
      %and3A_445 = arith.constant 15 : i32
      %and3A_446 = vector.broadcast %and3A_445 : i32 to vector<16xi32>
      %and3A_447 = arith.andi %get3A_441, %and3A_446 : vector<16xi32>
      tpu.vector_store_idx %arg13[%shift_right_logical3A_444, %and3A_447], %broadcast_in_dim3A_56 {add = true} : memref<640x16xf32, #tpu.memory_space<vmem>>[vector<16xi32>, vector<16xi32>], vector<16xf32>,
      %get3A_448 = arith.index_cast %add3A_394 : i32 to index
      %get3A_449 = arith.constant 64 : index
      %get3A_450 = tpu.vector_load %arg8[%get3A_448, %get3A_449] {strides = array<i32>} : memref<160x128xi32, #tpu.memory_space<vmem>>, vector<16xi32>,
      %shift_right_logical3A_451 = arith.constant 4 : i32
      %shift_right_logical3A_452 = vector.broadcast %shift_right_logical3A_451 : i32 to vector<16xi32>
      %shift_right_logical3A_453 = arith.shrui %get3A_450, %shift_right_logical3A_452 : vector<16xi32>
      %and3A_454 = arith.constant 15 : i32
      %and3A_455 = vector.broadcast %and3A_454 : i32 to vector<16xi32>
      %and3A_456 = arith.andi %get3A_450, %and3A_455 : vector<16xi32>
      tpu.vector_store_idx %arg13[%shift_right_logical3A_453, %and3A_456], %broadcast_in_dim3A_56 {add = true} : memref<640x16xf32, #tpu.memory_space<vmem>>[vector<16xi32>, vector<16xi32>], vector<16xf32>,
      %get3A_457 = arith.index_cast %add3A_394 : i32 to index
      %get3A_458 = arith.constant 80 : index
      %get3A_459 = tpu.vector_load %arg8[%get3A_457, %get3A_458] {strides = array<i32>} : memref<160x128xi32, #tpu.memory_space<vmem>>, vector<16xi32>,
      %shift_right_logical3A_460 = arith.constant 4 : i32
      %shift_right_logical3A_461 = vector.broadcast %shift_right_logical3A_460 : i32 to vector<16xi32>
      %shift_right_logical3A_462 = arith.shrui %get3A_459, %shift_right_logical3A_461 : vector<16xi32>
      %and3A_463 = arith.constant 15 : i32
      %and3A_464 = vector.broadcast %and3A_463 : i32 to vector<16xi32>
      %and3A_465 = arith.andi %get3A_459, %and3A_464 : vector<16xi32>
      tpu.vector_store_idx %arg13[%shift_right_logical3A_462, %and3A_465], %broadcast_in_dim3A_56 {add = true} : memref<640x16xf32, #tpu.memory_space<vmem>>[vector<16xi32>, vector<16xi32>], vector<16xf32>,
      %get3A_466 = arith.index_cast %add3A_394 : i32 to index
      %get3A_467 = arith.constant 96 : index
      %get3A_468 = tpu.vector_load %arg8[%get3A_466, %get3A_467] {strides = array<i32>} : memref<160x128xi32, #tpu.memory_space<vmem>>, vector<16xi32>,
      %shift_right_logical3A_469 = arith.constant 4 : i32
      %shift_right_logical3A_470 = vector.broadcast %shift_right_logical3A_469 : i32 to vector<16xi32>
      %shift_right_logical3A_471 = arith.shrui %get3A_468, %shift_right_logical3A_470 : vector<16xi32>
      %and3A_472 = arith.constant 15 : i32
      %and3A_473 = vector.broadcast %and3A_472 : i32 to vector<16xi32>
      %and3A_474 = arith.andi %get3A_468, %and3A_473 : vector<16xi32>
      tpu.vector_store_idx %arg13[%shift_right_logical3A_471, %and3A_474], %broadcast_in_dim3A_56 {add = true} : memref<640x16xf32, #tpu.memory_space<vmem>>[vector<16xi32>, vector<16xi32>], vector<16xf32>,
      %get3A_475 = arith.index_cast %add3A_394 : i32 to index
      %get3A_476 = arith.constant 112 : index
      %get3A_477 = tpu.vector_load %arg8[%get3A_475, %get3A_476] {strides = array<i32>} : memref<160x128xi32, #tpu.memory_space<vmem>>, vector<16xi32>,
      %shift_right_logical3A_478 = arith.constant 4 : i32
      %shift_right_logical3A_479 = vector.broadcast %shift_right_logical3A_478 : i32 to vector<16xi32>
      %shift_right_logical3A_480 = arith.shrui %get3A_477, %shift_right_logical3A_479 : vector<16xi32>
      %and3A_481 = arith.constant 15 : i32
      %and3A_482 = vector.broadcast %and3A_481 : i32 to vector<16xi32>
      %and3A_483 = arith.andi %get3A_477, %and3A_482 : vector<16xi32>
      tpu.vector_store_idx %arg13[%shift_right_logical3A_480, %and3A_483], %broadcast_in_dim3A_56 {add = true} : memref<640x16xf32, #tpu.memory_space<vmem>>[vector<16xi32>, vector<16xi32>], vector<16xf32>,
      %ge3A_484 = arith.constant 1 : i32
      %ge3A_485 = arith.cmpi sge, %add3A_394, %ge3A_484 : i32
      %convert_element_type3A_486 = arith.extui %ge3A_485 : i1 to i32
      %cond3A_487 = arith.constant 0 : i32
      %cond3A_488 = arith.cmpi ne, %convert_element_type3A_486, %cond3A_487 : i32
      scf.if %cond3A_488 {
        %sub3A = arith.constant 1 : i32
        %sub3A_917 = arith.subi %add3A_394, %sub3A : i32
        %dma_wait3A_918 = arith.constant 0 : i32
        %dma_wait3A_919 = tpu.memref_slice %arg8[%sub3A_917, %dma_wait3A_918] : memref<160x128xi32, #tpu.memory_space<vmem>> -> memref<1x128xi32, #tpu.memory_space<vmem>>
        %dma_wait3A_920 = tpu.memref_squeeze %dma_wait3A_919 : memref<1x128xi32, #tpu.memory_space<vmem>> -> memref<128xi32, #tpu.memory_space<vmem>>
        %dma_wait3A_921 = arith.constant 0 : i32
        %dma_wait3A_922 = arith.constant 0 : i32
        %dma_wait3A_923 = tpu.memref_slice %arg16[%dma_wait3A_921, %dma_wait3A_922] : memref<10240x64xf32, #tpu.memory_space<vmem_shared>> -> memref<10240x64xf32, #tpu.memory_space<vmem_shared>>
        tpu.wait_indirect_dma semaphore(%arg20 : memref<!tpu.dma_semaphore, #tpu.memory_space<semaphore_mem>>) src(%arg11 : memref<128x64xf32, #tpu.memory_space<vmem>>) dst(%dma_wait3A_923 : memref<10240x64xf32, #tpu.memory_space<vmem_shared>>)
      } else {
      }
      %mul3A_489 = arith.constant 2 : i32
      %mul3A_490 = arith.muli %mul3A_489, %scan3A_94 : i32
      %add3A_491 = arith.constant 1 : i32
      %add3A_492 = arith.addi %mul3A_490, %add3A_491 : i32
      %mul3A_493 = arith.constant 4 : i32
      %mul3A_494 = arith.muli %add3A_492, %mul3A_493 : i32
      %dma_wait3A_495 = arith.constant 0 : i32
      %dma_wait3A_496 = tpu.memref_slice %arg3[%arg1, %mul3A_494, %dma_wait3A_495] : memref<16x160x128xi32, #tpu.memory_space<hbm>> -> memref<1x4x128xi32, #tpu.memory_space<hbm>>
      %dma_wait3A_497 = tpu.memref_squeeze %dma_wait3A_496 : memref<1x4x128xi32, #tpu.memory_space<hbm>> -> memref<4x128xi32, #tpu.memory_space<hbm>>
      %dma_wait3A_498 = arith.constant 0 : i32
      %dma_wait3A_499 = tpu.memref_slice %arg3[%arg1, %mul3A_494, %dma_wait3A_498] : memref<16x160x128xi32, #tpu.memory_space<hbm>> -> memref<1x4x128xi32, #tpu.memory_space<hbm>>
      %dma_wait3A_500 = tpu.memref_squeeze %dma_wait3A_499 : memref<1x4x128xi32, #tpu.memory_space<hbm>> -> memref<4x128xi32, #tpu.memory_space<hbm>>
      tpu.wait_dma2 semaphore(%arg23 : memref<!tpu.dma_semaphore, #tpu.memory_space<semaphore_mem>>) src(%dma_wait3A_500 : memref<4x128xi32, #tpu.memory_space<hbm>>) dst(%arg10 : memref<4x128xi32, #tpu.memory_space<vmem>>)
      %add3A_501 = arith.constant 1 : i32
      %add3A_502 = arith.addi %add3A_394, %add3A_501 : i32
      %dma_start3A_503 = arith.constant 0 : i32
      %dma_start3A_504 = arith.constant 0 : i32
      %dma_start3A_505 = tpu.memref_slice %arg10[%dma_start3A_503, %dma_start3A_504] : memref<4x128xi32, #tpu.memory_space<vmem>> -> memref<1x128xi32, #tpu.memory_space<vmem>>
      %dma_start3A_506 = tpu.memref_squeeze %dma_start3A_505 : memref<1x128xi32, #tpu.memory_space<vmem>> -> memref<128xi32, #tpu.memory_space<vmem>>
      %dma_start3A_507 = arith.constant 0 : i32
      %dma_start3A_508 = arith.constant 0 : i32
      %dma_start3A_509 = tpu.memref_slice %arg15[%dma_start3A_507, %dma_start3A_508] : memref<10000x64xf32, #tpu.memory_space<vmem_shared>> -> memref<10000x64xf32, #tpu.memory_space<vmem_shared>>
      tpu.enqueue_indirect_dma source(%dma_start3A_509 : memref<10000x64xf32, #tpu.memory_space<vmem_shared>>) target(%arg11 : memref<128x64xf32, #tpu.memory_space<vmem>>) offsets(%dma_start3A_506 : memref<128xi32, #tpu.memory_space<vmem>>) semaphore(%arg18 : memref<!tpu.dma_semaphore, #tpu.memory_space<semaphore_mem>>)
      %add3A_510 = arith.constant 4 : i32
      %add3A_511 = arith.addi %mul3A_96, %add3A_510 : i32
      %dma_wait3A_512 = arith.constant 0 : i32
      %dma_wait3A_513 = arith.constant 0 : i32
      %dma_wait3A_514 = tpu.memref_slice %arg10[%dma_wait3A_512, %dma_wait3A_513] : memref<4x128xi32, #tpu.memory_space<vmem>> -> memref<1x128xi32, #tpu.memory_space<vmem>>
      %dma_wait3A_515 = tpu.memref_squeeze %dma_wait3A_514 : memref<1x128xi32, #tpu.memory_space<vmem>> -> memref<128xi32, #tpu.memory_space<vmem>>
      %dma_wait3A_516 = arith.constant 0 : i32
      %dma_wait3A_517 = arith.constant 0 : i32
      %dma_wait3A_518 = tpu.memref_slice %arg15[%dma_wait3A_516, %dma_wait3A_517] : memref<10000x64xf32, #tpu.memory_space<vmem_shared>> -> memref<10000x64xf32, #tpu.memory_space<vmem_shared>>
      tpu.wait_indirect_dma semaphore(%arg18 : memref<!tpu.dma_semaphore, #tpu.memory_space<semaphore_mem>>) src(%dma_wait3A_518 : memref<10000x64xf32, #tpu.memory_space<vmem_shared>>) dst(%arg11 : memref<128x64xf32, #tpu.memory_space<vmem>>)
      %dma_start3A_519 = arith.constant 0 : i32
      %dma_start3A_520 = tpu.memref_slice %arg8[%add3A_511, %dma_start3A_519] : memref<160x128xi32, #tpu.memory_space<vmem>> -> memref<1x128xi32, #tpu.memory_space<vmem>>
      %dma_start3A_521 = tpu.memref_squeeze %dma_start3A_520 : memref<1x128xi32, #tpu.memory_space<vmem>> -> memref<128xi32, #tpu.memory_space<vmem>>
      %dma_start3A_522 = arith.constant 0 : i32
      %dma_start3A_523 = arith.constant 0 : i32
      %dma_start3A_524 = tpu.memref_slice %arg16[%dma_start3A_522, %dma_start3A_523] : memref<10240x64xf32, #tpu.memory_space<vmem_shared>> -> memref<10240x64xf32, #tpu.memory_space<vmem_shared>>
      tpu.enqueue_indirect_dma source(%arg11 : memref<128x64xf32, #tpu.memory_space<vmem>>) target(%dma_start3A_524 : memref<10240x64xf32, #tpu.memory_space<vmem_shared>>) offsets(%dma_start3A_521 : memref<128xi32, #tpu.memory_space<vmem>>) semaphore(%arg20 : memref<!tpu.dma_semaphore, #tpu.memory_space<semaphore_mem>>) {add = true}
      %get3A_525 = arith.index_cast %add3A_511 : i32 to index
      %get3A_526 = arith.constant 0 : index
      %get3A_527 = tpu.vector_load %arg8[%get3A_525, %get3A_526] {strides = array<i32>} : memref<160x128xi32, #tpu.memory_space<vmem>>, vector<16xi32>,
      %shift_right_logical3A_528 = arith.constant 4 : i32
      %shift_right_logical3A_529 = vector.broadcast %shift_right_logical3A_528 : i32 to vector<16xi32>
      %shift_right_logical3A_530 = arith.shrui %get3A_527, %shift_right_logical3A_529 : vector<16xi32>
      %and3A_531 = arith.constant 15 : i32
      %and3A_532 = vector.broadcast %and3A_531 : i32 to vector<16xi32>
      %and3A_533 = arith.andi %get3A_527, %and3A_532 : vector<16xi32>
      tpu.vector_store_idx %arg13[%shift_right_logical3A_530, %and3A_533], %broadcast_in_dim3A_56 {add = true} : memref<640x16xf32, #tpu.memory_space<vmem>>[vector<16xi32>, vector<16xi32>], vector<16xf32>,
      %get3A_534 = arith.index_cast %add3A_511 : i32 to index
      %get3A_535 = arith.constant 16 : index
      %get3A_536 = tpu.vector_load %arg8[%get3A_534, %get3A_535] {strides = array<i32>} : memref<160x128xi32, #tpu.memory_space<vmem>>, vector<16xi32>,
      %shift_right_logical3A_537 = arith.constant 4 : i32
      %shift_right_logical3A_538 = vector.broadcast %shift_right_logical3A_537 : i32 to vector<16xi32>
      %shift_right_logical3A_539 = arith.shrui %get3A_536, %shift_right_logical3A_538 : vector<16xi32>
      %and3A_540 = arith.constant 15 : i32
      %and3A_541 = vector.broadcast %and3A_540 : i32 to vector<16xi32>
      %and3A_542 = arith.andi %get3A_536, %and3A_541 : vector<16xi32>
      tpu.vector_store_idx %arg13[%shift_right_logical3A_539, %and3A_542], %broadcast_in_dim3A_56 {add = true} : memref<640x16xf32, #tpu.memory_space<vmem>>[vector<16xi32>, vector<16xi32>], vector<16xf32>,
      %get3A_543 = arith.index_cast %add3A_511 : i32 to index
      %get3A_544 = arith.constant 32 : index
      %get3A_545 = tpu.vector_load %arg8[%get3A_543, %get3A_544] {strides = array<i32>} : memref<160x128xi32, #tpu.memory_space<vmem>>, vector<16xi32>,
      %shift_right_logical3A_546 = arith.constant 4 : i32
      %shift_right_logical3A_547 = vector.broadcast %shift_right_logical3A_546 : i32 to vector<16xi32>
      %shift_right_logical3A_548 = arith.shrui %get3A_545, %shift_right_logical3A_547 : vector<16xi32>
      %and3A_549 = arith.constant 15 : i32
      %and3A_550 = vector.broadcast %and3A_549 : i32 to vector<16xi32>
      %and3A_551 = arith.andi %get3A_545, %and3A_550 : vector<16xi32>
      tpu.vector_store_idx %arg13[%shift_right_logical3A_548, %and3A_551], %broadcast_in_dim3A_56 {add = true} : memref<640x16xf32, #tpu.memory_space<vmem>>[vector<16xi32>, vector<16xi32>], vector<16xf32>,
      %get3A_552 = arith.index_cast %add3A_511 : i32 to index
      %get3A_553 = arith.constant 48 : index
      %get3A_554 = tpu.vector_load %arg8[%get3A_552, %get3A_553] {strides = array<i32>} : memref<160x128xi32, #tpu.memory_space<vmem>>, vector<16xi32>,
      %shift_right_logical3A_555 = arith.constant 4 : i32
      %shift_right_logical3A_556 = vector.broadcast %shift_right_logical3A_555 : i32 to vector<16xi32>
      %shift_right_logical3A_557 = arith.shrui %get3A_554, %shift_right_logical3A_556 : vector<16xi32>
      %and3A_558 = arith.constant 15 : i32
      %and3A_559 = vector.broadcast %and3A_558 : i32 to vector<16xi32>
      %and3A_560 = arith.andi %get3A_554, %and3A_559 : vector<16xi32>
      tpu.vector_store_idx %arg13[%shift_right_logical3A_557, %and3A_560], %broadcast_in_dim3A_56 {add = true} : memref<640x16xf32, #tpu.memory_space<vmem>>[vector<16xi32>, vector<16xi32>], vector<16xf32>,
      %get3A_561 = arith.index_cast %add3A_511 : i32 to index
      %get3A_562 = arith.constant 64 : index
      %get3A_563 = tpu.vector_load %arg8[%get3A_561, %get3A_562] {strides = array<i32>} : memref<160x128xi32, #tpu.memory_space<vmem>>, vector<16xi32>,
      %shift_right_logical3A_564 = arith.constant 4 : i32
      %shift_right_logical3A_565 = vector.broadcast %shift_right_logical3A_564 : i32 to vector<16xi32>
      %shift_right_logical3A_566 = arith.shrui %get3A_563, %shift_right_logical3A_565 : vector<16xi32>
      %and3A_567 = arith.constant 15 : i32
      %and3A_568 = vector.broadcast %and3A_567 : i32 to vector<16xi32>
      %and3A_569 = arith.andi %get3A_563, %and3A_568 : vector<16xi32>
      tpu.vector_store_idx %arg13[%shift_right_logical3A_566, %and3A_569], %broadcast_in_dim3A_56 {add = true} : memref<640x16xf32, #tpu.memory_space<vmem>>[vector<16xi32>, vector<16xi32>], vector<16xf32>,
      %get3A_570 = arith.index_cast %add3A_511 : i32 to index
      %get3A_571 = arith.constant 80 : index
      %get3A_572 = tpu.vector_load %arg8[%get3A_570, %get3A_571] {strides = array<i32>} : memref<160x128xi32, #tpu.memory_space<vmem>>, vector<16xi32>,
      %shift_right_logical3A_573 = arith.constant 4 : i32
      %shift_right_logical3A_574 = vector.broadcast %shift_right_logical3A_573 : i32 to vector<16xi32>
      %shift_right_logical3A_575 = arith.shrui %get3A_572, %shift_right_logical3A_574 : vector<16xi32>
      %and3A_576 = arith.constant 15 : i32
      %and3A_577 = vector.broadcast %and3A_576 : i32 to vector<16xi32>
      %and3A_578 = arith.andi %get3A_572, %and3A_577 : vector<16xi32>
      tpu.vector_store_idx %arg13[%shift_right_logical3A_575, %and3A_578], %broadcast_in_dim3A_56 {add = true} : memref<640x16xf32, #tpu.memory_space<vmem>>[vector<16xi32>, vector<16xi32>], vector<16xf32>,
      %get3A_579 = arith.index_cast %add3A_511 : i32 to index
      %get3A_580 = arith.constant 96 : index
      %get3A_581 = tpu.vector_load %arg8[%get3A_579, %get3A_580] {strides = array<i32>} : memref<160x128xi32, #tpu.memory_space<vmem>>, vector<16xi32>,
      %shift_right_logical3A_582 = arith.constant 4 : i32
      %shift_right_logical3A_583 = vector.broadcast %shift_right_logical3A_582 : i32 to vector<16xi32>
      %shift_right_logical3A_584 = arith.shrui %get3A_581, %shift_right_logical3A_583 : vector<16xi32>
      %and3A_585 = arith.constant 15 : i32
      %and3A_586 = vector.broadcast %and3A_585 : i32 to vector<16xi32>
      %and3A_587 = arith.andi %get3A_581, %and3A_586 : vector<16xi32>
      tpu.vector_store_idx %arg13[%shift_right_logical3A_584, %and3A_587], %broadcast_in_dim3A_56 {add = true} : memref<640x16xf32, #tpu.memory_space<vmem>>[vector<16xi32>, vector<16xi32>], vector<16xf32>,
      %get3A_588 = arith.index_cast %add3A_511 : i32 to index
      %get3A_589 = arith.constant 112 : index
      %get3A_590 = tpu.vector_load %arg8[%get3A_588, %get3A_589] {strides = array<i32>} : memref<160x128xi32, #tpu.memory_space<vmem>>, vector<16xi32>,
      %shift_right_logical3A_591 = arith.constant 4 : i32
      %shift_right_logical3A_592 = vector.broadcast %shift_right_logical3A_591 : i32 to vector<16xi32>
      %shift_right_logical3A_593 = arith.shrui %get3A_590, %shift_right_logical3A_592 : vector<16xi32>
      %and3A_594 = arith.constant 15 : i32
      %and3A_595 = vector.broadcast %and3A_594 : i32 to vector<16xi32>
      %and3A_596 = arith.andi %get3A_590, %and3A_595 : vector<16xi32>
      tpu.vector_store_idx %arg13[%shift_right_logical3A_593, %and3A_596], %broadcast_in_dim3A_56 {add = true} : memref<640x16xf32, #tpu.memory_space<vmem>>[vector<16xi32>, vector<16xi32>], vector<16xf32>,
      %ge3A_597 = arith.constant 1 : i32
      %ge3A_598 = arith.cmpi sge, %add3A_511, %ge3A_597 : i32
      %convert_element_type3A_599 = arith.extui %ge3A_598 : i1 to i32
      %cond3A_600 = arith.constant 0 : i32
      %cond3A_601 = arith.cmpi ne, %convert_element_type3A_599, %cond3A_600 : i32
      scf.if %cond3A_601 {
        %sub3A = arith.constant 1 : i32
        %sub3A_917 = arith.subi %add3A_511, %sub3A : i32
        %dma_wait3A_918 = arith.constant 0 : i32
        %dma_wait3A_919 = tpu.memref_slice %arg8[%sub3A_917, %dma_wait3A_918] : memref<160x128xi32, #tpu.memory_space<vmem>> -> memref<1x128xi32, #tpu.memory_space<vmem>>
        %dma_wait3A_920 = tpu.memref_squeeze %dma_wait3A_919 : memref<1x128xi32, #tpu.memory_space<vmem>> -> memref<128xi32, #tpu.memory_space<vmem>>
        %dma_wait3A_921 = arith.constant 0 : i32
        %dma_wait3A_922 = arith.constant 0 : i32
        %dma_wait3A_923 = tpu.memref_slice %arg16[%dma_wait3A_921, %dma_wait3A_922] : memref<10240x64xf32, #tpu.memory_space<vmem_shared>> -> memref<10240x64xf32, #tpu.memory_space<vmem_shared>>
        tpu.wait_indirect_dma semaphore(%arg21 : memref<!tpu.dma_semaphore, #tpu.memory_space<semaphore_mem>>) src(%arg12 : memref<128x64xf32, #tpu.memory_space<vmem>>) dst(%dma_wait3A_923 : memref<10240x64xf32, #tpu.memory_space<vmem_shared>>)
      } else {
      }
      %add3A_602 = arith.constant 1 : i32
      %add3A_603 = arith.addi %add3A_511, %add3A_602 : i32
      %dma_start3A_604 = arith.constant 1 : i32
      %dma_start3A_605 = arith.constant 0 : i32
      %dma_start3A_606 = tpu.memref_slice %arg10[%dma_start3A_604, %dma_start3A_605] : memref<4x128xi32, #tpu.memory_space<vmem>> -> memref<1x128xi32, #tpu.memory_space<vmem>>
      %dma_start3A_607 = tpu.memref_squeeze %dma_start3A_606 : memref<1x128xi32, #tpu.memory_space<vmem>> -> memref<128xi32, #tpu.memory_space<vmem>>
      %dma_start3A_608 = arith.constant 0 : i32
      %dma_start3A_609 = arith.constant 0 : i32
      %dma_start3A_610 = tpu.memref_slice %arg15[%dma_start3A_608, %dma_start3A_609] : memref<10000x64xf32, #tpu.memory_space<vmem_shared>> -> memref<10000x64xf32, #tpu.memory_space<vmem_shared>>
      tpu.enqueue_indirect_dma source(%dma_start3A_610 : memref<10000x64xf32, #tpu.memory_space<vmem_shared>>) target(%arg12 : memref<128x64xf32, #tpu.memory_space<vmem>>) offsets(%dma_start3A_607 : memref<128xi32, #tpu.memory_space<vmem>>) semaphore(%arg19 : memref<!tpu.dma_semaphore, #tpu.memory_space<semaphore_mem>>)
      %add3A_611 = arith.constant 5 : i32
      %add3A_612 = arith.addi %mul3A_96, %add3A_611 : i32
      %dma_wait3A_613 = arith.constant 1 : i32
      %dma_wait3A_614 = arith.constant 0 : i32
      %dma_wait3A_615 = tpu.memref_slice %arg10[%dma_wait3A_613, %dma_wait3A_614] : memref<4x128xi32, #tpu.memory_space<vmem>> -> memref<1x128xi32, #tpu.memory_space<vmem>>
      %dma_wait3A_616 = tpu.memref_squeeze %dma_wait3A_615 : memref<1x128xi32, #tpu.memory_space<vmem>> -> memref<128xi32, #tpu.memory_space<vmem>>
      %dma_wait3A_617 = arith.constant 0 : i32
      %dma_wait3A_618 = arith.constant 0 : i32
      %dma_wait3A_619 = tpu.memref_slice %arg15[%dma_wait3A_617, %dma_wait3A_618] : memref<10000x64xf32, #tpu.memory_space<vmem_shared>> -> memref<10000x64xf32, #tpu.memory_space<vmem_shared>>
      tpu.wait_indirect_dma semaphore(%arg19 : memref<!tpu.dma_semaphore, #tpu.memory_space<semaphore_mem>>) src(%dma_wait3A_619 : memref<10000x64xf32, #tpu.memory_space<vmem_shared>>) dst(%arg12 : memref<128x64xf32, #tpu.memory_space<vmem>>)
      %dma_start3A_620 = arith.constant 0 : i32
      %dma_start3A_621 = tpu.memref_slice %arg8[%add3A_612, %dma_start3A_620] : memref<160x128xi32, #tpu.memory_space<vmem>> -> memref<1x128xi32, #tpu.memory_space<vmem>>
      %dma_start3A_622 = tpu.memref_squeeze %dma_start3A_621 : memref<1x128xi32, #tpu.memory_space<vmem>> -> memref<128xi32, #tpu.memory_space<vmem>>
      %dma_start3A_623 = arith.constant 0 : i32
      %dma_start3A_624 = arith.constant 0 : i32
      %dma_start3A_625 = tpu.memref_slice %arg16[%dma_start3A_623, %dma_start3A_624] : memref<10240x64xf32, #tpu.memory_space<vmem_shared>> -> memref<10240x64xf32, #tpu.memory_space<vmem_shared>>
      tpu.enqueue_indirect_dma source(%arg12 : memref<128x64xf32, #tpu.memory_space<vmem>>) target(%dma_start3A_625 : memref<10240x64xf32, #tpu.memory_space<vmem_shared>>) offsets(%dma_start3A_622 : memref<128xi32, #tpu.memory_space<vmem>>) semaphore(%arg21 : memref<!tpu.dma_semaphore, #tpu.memory_space<semaphore_mem>>) {add = true}
      %get3A_626 = arith.index_cast %add3A_612 : i32 to index
      %get3A_627 = arith.constant 0 : index
      %get3A_628 = tpu.vector_load %arg8[%get3A_626, %get3A_627] {strides = array<i32>} : memref<160x128xi32, #tpu.memory_space<vmem>>, vector<16xi32>,
      %shift_right_logical3A_629 = arith.constant 4 : i32
      %shift_right_logical3A_630 = vector.broadcast %shift_right_logical3A_629 : i32 to vector<16xi32>
      %shift_right_logical3A_631 = arith.shrui %get3A_628, %shift_right_logical3A_630 : vector<16xi32>
      %and3A_632 = arith.constant 15 : i32
      %and3A_633 = vector.broadcast %and3A_632 : i32 to vector<16xi32>
      %and3A_634 = arith.andi %get3A_628, %and3A_633 : vector<16xi32>
      tpu.vector_store_idx %arg13[%shift_right_logical3A_631, %and3A_634], %broadcast_in_dim3A_56 {add = true} : memref<640x16xf32, #tpu.memory_space<vmem>>[vector<16xi32>, vector<16xi32>], vector<16xf32>,
      %get3A_635 = arith.index_cast %add3A_612 : i32 to index
      %get3A_636 = arith.constant 16 : index
      %get3A_637 = tpu.vector_load %arg8[%get3A_635, %get3A_636] {strides = array<i32>} : memref<160x128xi32, #tpu.memory_space<vmem>>, vector<16xi32>,
      %shift_right_logical3A_638 = arith.constant 4 : i32
      %shift_right_logical3A_639 = vector.broadcast %shift_right_logical3A_638 : i32 to vector<16xi32>
      %shift_right_logical3A_640 = arith.shrui %get3A_637, %shift_right_logical3A_639 : vector<16xi32>
      %and3A_641 = arith.constant 15 : i32
      %and3A_642 = vector.broadcast %and3A_641 : i32 to vector<16xi32>
      %and3A_643 = arith.andi %get3A_637, %and3A_642 : vector<16xi32>
      tpu.vector_store_idx %arg13[%shift_right_logical3A_640, %and3A_643], %broadcast_in_dim3A_56 {add = true} : memref<640x16xf32, #tpu.memory_space<vmem>>[vector<16xi32>, vector<16xi32>], vector<16xf32>,
      %get3A_644 = arith.index_cast %add3A_612 : i32 to index
      %get3A_645 = arith.constant 32 : index
      %get3A_646 = tpu.vector_load %arg8[%get3A_644, %get3A_645] {strides = array<i32>} : memref<160x128xi32, #tpu.memory_space<vmem>>, vector<16xi32>,
      %shift_right_logical3A_647 = arith.constant 4 : i32
      %shift_right_logical3A_648 = vector.broadcast %shift_right_logical3A_647 : i32 to vector<16xi32>
      %shift_right_logical3A_649 = arith.shrui %get3A_646, %shift_right_logical3A_648 : vector<16xi32>
      %and3A_650 = arith.constant 15 : i32
      %and3A_651 = vector.broadcast %and3A_650 : i32 to vector<16xi32>
      %and3A_652 = arith.andi %get3A_646, %and3A_651 : vector<16xi32>
      tpu.vector_store_idx %arg13[%shift_right_logical3A_649, %and3A_652], %broadcast_in_dim3A_56 {add = true} : memref<640x16xf32, #tpu.memory_space<vmem>>[vector<16xi32>, vector<16xi32>], vector<16xf32>,
      %get3A_653 = arith.index_cast %add3A_612 : i32 to index
      %get3A_654 = arith.constant 48 : index
      %get3A_655 = tpu.vector_load %arg8[%get3A_653, %get3A_654] {strides = array<i32>} : memref<160x128xi32, #tpu.memory_space<vmem>>, vector<16xi32>,
      %shift_right_logical3A_656 = arith.constant 4 : i32
      %shift_right_logical3A_657 = vector.broadcast %shift_right_logical3A_656 : i32 to vector<16xi32>
      %shift_right_logical3A_658 = arith.shrui %get3A_655, %shift_right_logical3A_657 : vector<16xi32>
      %and3A_659 = arith.constant 15 : i32
      %and3A_660 = vector.broadcast %and3A_659 : i32 to vector<16xi32>
      %and3A_661 = arith.andi %get3A_655, %and3A_660 : vector<16xi32>
      tpu.vector_store_idx %arg13[%shift_right_logical3A_658, %and3A_661], %broadcast_in_dim3A_56 {add = true} : memref<640x16xf32, #tpu.memory_space<vmem>>[vector<16xi32>, vector<16xi32>], vector<16xf32>,
      %get3A_662 = arith.index_cast %add3A_612 : i32 to index
      %get3A_663 = arith.constant 64 : index
      %get3A_664 = tpu.vector_load %arg8[%get3A_662, %get3A_663] {strides = array<i32>} : memref<160x128xi32, #tpu.memory_space<vmem>>, vector<16xi32>,
      %shift_right_logical3A_665 = arith.constant 4 : i32
      %shift_right_logical3A_666 = vector.broadcast %shift_right_logical3A_665 : i32 to vector<16xi32>
      %shift_right_logical3A_667 = arith.shrui %get3A_664, %shift_right_logical3A_666 : vector<16xi32>
      %and3A_668 = arith.constant 15 : i32
      %and3A_669 = vector.broadcast %and3A_668 : i32 to vector<16xi32>
      %and3A_670 = arith.andi %get3A_664, %and3A_669 : vector<16xi32>
      tpu.vector_store_idx %arg13[%shift_right_logical3A_667, %and3A_670], %broadcast_in_dim3A_56 {add = true} : memref<640x16xf32, #tpu.memory_space<vmem>>[vector<16xi32>, vector<16xi32>], vector<16xf32>,
      %get3A_671 = arith.index_cast %add3A_612 : i32 to index
      %get3A_672 = arith.constant 80 : index
      %get3A_673 = tpu.vector_load %arg8[%get3A_671, %get3A_672] {strides = array<i32>} : memref<160x128xi32, #tpu.memory_space<vmem>>, vector<16xi32>,
      %shift_right_logical3A_674 = arith.constant 4 : i32
      %shift_right_logical3A_675 = vector.broadcast %shift_right_logical3A_674 : i32 to vector<16xi32>
      %shift_right_logical3A_676 = arith.shrui %get3A_673, %shift_right_logical3A_675 : vector<16xi32>
      %and3A_677 = arith.constant 15 : i32
      %and3A_678 = vector.broadcast %and3A_677 : i32 to vector<16xi32>
      %and3A_679 = arith.andi %get3A_673, %and3A_678 : vector<16xi32>
      tpu.vector_store_idx %arg13[%shift_right_logical3A_676, %and3A_679], %broadcast_in_dim3A_56 {add = true} : memref<640x16xf32, #tpu.memory_space<vmem>>[vector<16xi32>, vector<16xi32>], vector<16xf32>,
      %get3A_680 = arith.index_cast %add3A_612 : i32 to index
      %get3A_681 = arith.constant 96 : index
      %get3A_682 = tpu.vector_load %arg8[%get3A_680, %get3A_681] {strides = array<i32>} : memref<160x128xi32, #tpu.memory_space<vmem>>, vector<16xi32>,
      %shift_right_logical3A_683 = arith.constant 4 : i32
      %shift_right_logical3A_684 = vector.broadcast %shift_right_logical3A_683 : i32 to vector<16xi32>
      %shift_right_logical3A_685 = arith.shrui %get3A_682, %shift_right_logical3A_684 : vector<16xi32>
      %and3A_686 = arith.constant 15 : i32
      %and3A_687 = vector.broadcast %and3A_686 : i32 to vector<16xi32>
      %and3A_688 = arith.andi %get3A_682, %and3A_687 : vector<16xi32>
      tpu.vector_store_idx %arg13[%shift_right_logical3A_685, %and3A_688], %broadcast_in_dim3A_56 {add = true} : memref<640x16xf32, #tpu.memory_space<vmem>>[vector<16xi32>, vector<16xi32>], vector<16xf32>,
      %get3A_689 = arith.index_cast %add3A_612 : i32 to index
      %get3A_690 = arith.constant 112 : index
      %get3A_691 = tpu.vector_load %arg8[%get3A_689, %get3A_690] {strides = array<i32>} : memref<160x128xi32, #tpu.memory_space<vmem>>, vector<16xi32>,
      %shift_right_logical3A_692 = arith.constant 4 : i32
      %shift_right_logical3A_693 = vector.broadcast %shift_right_logical3A_692 : i32 to vector<16xi32>
      %shift_right_logical3A_694 = arith.shrui %get3A_691, %shift_right_logical3A_693 : vector<16xi32>
      %and3A_695 = arith.constant 15 : i32
      %and3A_696 = vector.broadcast %and3A_695 : i32 to vector<16xi32>
      %and3A_697 = arith.andi %get3A_691, %and3A_696 : vector<16xi32>
      tpu.vector_store_idx %arg13[%shift_right_logical3A_694, %and3A_697], %broadcast_in_dim3A_56 {add = true} : memref<640x16xf32, #tpu.memory_space<vmem>>[vector<16xi32>, vector<16xi32>], vector<16xf32>,
      %ge3A_698 = arith.constant 1 : i32
      %ge3A_699 = arith.cmpi sge, %add3A_612, %ge3A_698 : i32
      %convert_element_type3A_700 = arith.extui %ge3A_699 : i1 to i32
      %cond3A_701 = arith.constant 0 : i32
      %cond3A_702 = arith.cmpi ne, %convert_element_type3A_700, %cond3A_701 : i32
      scf.if %cond3A_702 {
        %sub3A = arith.constant 1 : i32
        %sub3A_917 = arith.subi %add3A_612, %sub3A : i32
        %dma_wait3A_918 = arith.constant 0 : i32
        %dma_wait3A_919 = tpu.memref_slice %arg8[%sub3A_917, %dma_wait3A_918] : memref<160x128xi32, #tpu.memory_space<vmem>> -> memref<1x128xi32, #tpu.memory_space<vmem>>
        %dma_wait3A_920 = tpu.memref_squeeze %dma_wait3A_919 : memref<1x128xi32, #tpu.memory_space<vmem>> -> memref<128xi32, #tpu.memory_space<vmem>>
        %dma_wait3A_921 = arith.constant 0 : i32
        %dma_wait3A_922 = arith.constant 0 : i32
        %dma_wait3A_923 = tpu.memref_slice %arg16[%dma_wait3A_921, %dma_wait3A_922] : memref<10240x64xf32, #tpu.memory_space<vmem_shared>> -> memref<10240x64xf32, #tpu.memory_space<vmem_shared>>
        tpu.wait_indirect_dma semaphore(%arg20 : memref<!tpu.dma_semaphore, #tpu.memory_space<semaphore_mem>>) src(%arg11 : memref<128x64xf32, #tpu.memory_space<vmem>>) dst(%dma_wait3A_923 : memref<10240x64xf32, #tpu.memory_space<vmem_shared>>)
      } else {
      }
      %add3A_703 = arith.constant 1 : i32
      %add3A_704 = arith.addi %add3A_612, %add3A_703 : i32
      %dma_start3A_705 = arith.constant 2 : i32
      %dma_start3A_706 = arith.constant 0 : i32
      %dma_start3A_707 = tpu.memref_slice %arg10[%dma_start3A_705, %dma_start3A_706] : memref<4x128xi32, #tpu.memory_space<vmem>> -> memref<1x128xi32, #tpu.memory_space<vmem>>
      %dma_start3A_708 = tpu.memref_squeeze %dma_start3A_707 : memref<1x128xi32, #tpu.memory_space<vmem>> -> memref<128xi32, #tpu.memory_space<vmem>>
      %dma_start3A_709 = arith.constant 0 : i32
      %dma_start3A_710 = arith.constant 0 : i32
      %dma_start3A_711 = tpu.memref_slice %arg15[%dma_start3A_709, %dma_start3A_710] : memref<10000x64xf32, #tpu.memory_space<vmem_shared>> -> memref<10000x64xf32, #tpu.memory_space<vmem_shared>>
      tpu.enqueue_indirect_dma source(%dma_start3A_711 : memref<10000x64xf32, #tpu.memory_space<vmem_shared>>) target(%arg11 : memref<128x64xf32, #tpu.memory_space<vmem>>) offsets(%dma_start3A_708 : memref<128xi32, #tpu.memory_space<vmem>>) semaphore(%arg18 : memref<!tpu.dma_semaphore, #tpu.memory_space<semaphore_mem>>)
      %add3A_712 = arith.constant 6 : i32
      %add3A_713 = arith.addi %mul3A_96, %add3A_712 : i32
      %dma_wait3A_714 = arith.constant 2 : i32
      %dma_wait3A_715 = arith.constant 0 : i32
      %dma_wait3A_716 = tpu.memref_slice %arg10[%dma_wait3A_714, %dma_wait3A_715] : memref<4x128xi32, #tpu.memory_space<vmem>> -> memref<1x128xi32, #tpu.memory_space<vmem>>
      %dma_wait3A_717 = tpu.memref_squeeze %dma_wait3A_716 : memref<1x128xi32, #tpu.memory_space<vmem>> -> memref<128xi32, #tpu.memory_space<vmem>>
      %dma_wait3A_718 = arith.constant 0 : i32
      %dma_wait3A_719 = arith.constant 0 : i32
      %dma_wait3A_720 = tpu.memref_slice %arg15[%dma_wait3A_718, %dma_wait3A_719] : memref<10000x64xf32, #tpu.memory_space<vmem_shared>> -> memref<10000x64xf32, #tpu.memory_space<vmem_shared>>
      tpu.wait_indirect_dma semaphore(%arg18 : memref<!tpu.dma_semaphore, #tpu.memory_space<semaphore_mem>>) src(%dma_wait3A_720 : memref<10000x64xf32, #tpu.memory_space<vmem_shared>>) dst(%arg11 : memref<128x64xf32, #tpu.memory_space<vmem>>)
      %dma_start3A_721 = arith.constant 0 : i32
      %dma_start3A_722 = tpu.memref_slice %arg8[%add3A_713, %dma_start3A_721] : memref<160x128xi32, #tpu.memory_space<vmem>> -> memref<1x128xi32, #tpu.memory_space<vmem>>
      %dma_start3A_723 = tpu.memref_squeeze %dma_start3A_722 : memref<1x128xi32, #tpu.memory_space<vmem>> -> memref<128xi32, #tpu.memory_space<vmem>>
      %dma_start3A_724 = arith.constant 0 : i32
      %dma_start3A_725 = arith.constant 0 : i32
      %dma_start3A_726 = tpu.memref_slice %arg16[%dma_start3A_724, %dma_start3A_725] : memref<10240x64xf32, #tpu.memory_space<vmem_shared>> -> memref<10240x64xf32, #tpu.memory_space<vmem_shared>>
      tpu.enqueue_indirect_dma source(%arg11 : memref<128x64xf32, #tpu.memory_space<vmem>>) target(%dma_start3A_726 : memref<10240x64xf32, #tpu.memory_space<vmem_shared>>) offsets(%dma_start3A_723 : memref<128xi32, #tpu.memory_space<vmem>>) semaphore(%arg20 : memref<!tpu.dma_semaphore, #tpu.memory_space<semaphore_mem>>) {add = true}
      %get3A_727 = arith.index_cast %add3A_713 : i32 to index
      %get3A_728 = arith.constant 0 : index
      %get3A_729 = tpu.vector_load %arg8[%get3A_727, %get3A_728] {strides = array<i32>} : memref<160x128xi32, #tpu.memory_space<vmem>>, vector<16xi32>,
      %shift_right_logical3A_730 = arith.constant 4 : i32
      %shift_right_logical3A_731 = vector.broadcast %shift_right_logical3A_730 : i32 to vector<16xi32>
      %shift_right_logical3A_732 = arith.shrui %get3A_729, %shift_right_logical3A_731 : vector<16xi32>
      %and3A_733 = arith.constant 15 : i32
      %and3A_734 = vector.broadcast %and3A_733 : i32 to vector<16xi32>
      %and3A_735 = arith.andi %get3A_729, %and3A_734 : vector<16xi32>
      tpu.vector_store_idx %arg13[%shift_right_logical3A_732, %and3A_735], %broadcast_in_dim3A_56 {add = true} : memref<640x16xf32, #tpu.memory_space<vmem>>[vector<16xi32>, vector<16xi32>], vector<16xf32>,
      %get3A_736 = arith.index_cast %add3A_713 : i32 to index
      %get3A_737 = arith.constant 16 : index
      %get3A_738 = tpu.vector_load %arg8[%get3A_736, %get3A_737] {strides = array<i32>} : memref<160x128xi32, #tpu.memory_space<vmem>>, vector<16xi32>,
      %shift_right_logical3A_739 = arith.constant 4 : i32
      %shift_right_logical3A_740 = vector.broadcast %shift_right_logical3A_739 : i32 to vector<16xi32>
      %shift_right_logical3A_741 = arith.shrui %get3A_738, %shift_right_logical3A_740 : vector<16xi32>
      %and3A_742 = arith.constant 15 : i32
      %and3A_743 = vector.broadcast %and3A_742 : i32 to vector<16xi32>
      %and3A_744 = arith.andi %get3A_738, %and3A_743 : vector<16xi32>
      tpu.vector_store_idx %arg13[%shift_right_logical3A_741, %and3A_744], %broadcast_in_dim3A_56 {add = true} : memref<640x16xf32, #tpu.memory_space<vmem>>[vector<16xi32>, vector<16xi32>], vector<16xf32>,
      %get3A_745 = arith.index_cast %add3A_713 : i32 to index
      %get3A_746 = arith.constant 32 : index
      %get3A_747 = tpu.vector_load %arg8[%get3A_745, %get3A_746] {strides = array<i32>} : memref<160x128xi32, #tpu.memory_space<vmem>>, vector<16xi32>,
      %shift_right_logical3A_748 = arith.constant 4 : i32
      %shift_right_logical3A_749 = vector.broadcast %shift_right_logical3A_748 : i32 to vector<16xi32>
      %shift_right_logical3A_750 = arith.shrui %get3A_747, %shift_right_logical3A_749 : vector<16xi32>
      %and3A_751 = arith.constant 15 : i32
      %and3A_752 = vector.broadcast %and3A_751 : i32 to vector<16xi32>
      %and3A_753 = arith.andi %get3A_747, %and3A_752 : vector<16xi32>
      tpu.vector_store_idx %arg13[%shift_right_logical3A_750, %and3A_753], %broadcast_in_dim3A_56 {add = true} : memref<640x16xf32, #tpu.memory_space<vmem>>[vector<16xi32>, vector<16xi32>], vector<16xf32>,
      %get3A_754 = arith.index_cast %add3A_713 : i32 to index
      %get3A_755 = arith.constant 48 : index
      %get3A_756 = tpu.vector_load %arg8[%get3A_754, %get3A_755] {strides = array<i32>} : memref<160x128xi32, #tpu.memory_space<vmem>>, vector<16xi32>,
      %shift_right_logical3A_757 = arith.constant 4 : i32
      %shift_right_logical3A_758 = vector.broadcast %shift_right_logical3A_757 : i32 to vector<16xi32>
      %shift_right_logical3A_759 = arith.shrui %get3A_756, %shift_right_logical3A_758 : vector<16xi32>
      %and3A_760 = arith.constant 15 : i32
      %and3A_761 = vector.broadcast %and3A_760 : i32 to vector<16xi32>
      %and3A_762 = arith.andi %get3A_756, %and3A_761 : vector<16xi32>
      tpu.vector_store_idx %arg13[%shift_right_logical3A_759, %and3A_762], %broadcast_in_dim3A_56 {add = true} : memref<640x16xf32, #tpu.memory_space<vmem>>[vector<16xi32>, vector<16xi32>], vector<16xf32>,
      %get3A_763 = arith.index_cast %add3A_713 : i32 to index
      %get3A_764 = arith.constant 64 : index
      %get3A_765 = tpu.vector_load %arg8[%get3A_763, %get3A_764] {strides = array<i32>} : memref<160x128xi32, #tpu.memory_space<vmem>>, vector<16xi32>,
      %shift_right_logical3A_766 = arith.constant 4 : i32
      %shift_right_logical3A_767 = vector.broadcast %shift_right_logical3A_766 : i32 to vector<16xi32>
      %shift_right_logical3A_768 = arith.shrui %get3A_765, %shift_right_logical3A_767 : vector<16xi32>
      %and3A_769 = arith.constant 15 : i32
      %and3A_770 = vector.broadcast %and3A_769 : i32 to vector<16xi32>
      %and3A_771 = arith.andi %get3A_765, %and3A_770 : vector<16xi32>
      tpu.vector_store_idx %arg13[%shift_right_logical3A_768, %and3A_771], %broadcast_in_dim3A_56 {add = true} : memref<640x16xf32, #tpu.memory_space<vmem>>[vector<16xi32>, vector<16xi32>], vector<16xf32>,
      %get3A_772 = arith.index_cast %add3A_713 : i32 to index
      %get3A_773 = arith.constant 80 : index
      %get3A_774 = tpu.vector_load %arg8[%get3A_772, %get3A_773] {strides = array<i32>} : memref<160x128xi32, #tpu.memory_space<vmem>>, vector<16xi32>,
      %shift_right_logical3A_775 = arith.constant 4 : i32
      %shift_right_logical3A_776 = vector.broadcast %shift_right_logical3A_775 : i32 to vector<16xi32>
      %shift_right_logical3A_777 = arith.shrui %get3A_774, %shift_right_logical3A_776 : vector<16xi32>
      %and3A_778 = arith.constant 15 : i32
      %and3A_779 = vector.broadcast %and3A_778 : i32 to vector<16xi32>
      %and3A_780 = arith.andi %get3A_774, %and3A_779 : vector<16xi32>
      tpu.vector_store_idx %arg13[%shift_right_logical3A_777, %and3A_780], %broadcast_in_dim3A_56 {add = true} : memref<640x16xf32, #tpu.memory_space<vmem>>[vector<16xi32>, vector<16xi32>], vector<16xf32>,
      %get3A_781 = arith.index_cast %add3A_713 : i32 to index
      %get3A_782 = arith.constant 96 : index
      %get3A_783 = tpu.vector_load %arg8[%get3A_781, %get3A_782] {strides = array<i32>} : memref<160x128xi32, #tpu.memory_space<vmem>>, vector<16xi32>,
      %shift_right_logical3A_784 = arith.constant 4 : i32
      %shift_right_logical3A_785 = vector.broadcast %shift_right_logical3A_784 : i32 to vector<16xi32>
      %shift_right_logical3A_786 = arith.shrui %get3A_783, %shift_right_logical3A_785 : vector<16xi32>
      %and3A_787 = arith.constant 15 : i32
      %and3A_788 = vector.broadcast %and3A_787 : i32 to vector<16xi32>
      %and3A_789 = arith.andi %get3A_783, %and3A_788 : vector<16xi32>
      tpu.vector_store_idx %arg13[%shift_right_logical3A_786, %and3A_789], %broadcast_in_dim3A_56 {add = true} : memref<640x16xf32, #tpu.memory_space<vmem>>[vector<16xi32>, vector<16xi32>], vector<16xf32>,
      %get3A_790 = arith.index_cast %add3A_713 : i32 to index
      %get3A_791 = arith.constant 112 : index
      %get3A_792 = tpu.vector_load %arg8[%get3A_790, %get3A_791] {strides = array<i32>} : memref<160x128xi32, #tpu.memory_space<vmem>>, vector<16xi32>,
      %shift_right_logical3A_793 = arith.constant 4 : i32
      %shift_right_logical3A_794 = vector.broadcast %shift_right_logical3A_793 : i32 to vector<16xi32>
      %shift_right_logical3A_795 = arith.shrui %get3A_792, %shift_right_logical3A_794 : vector<16xi32>
      %and3A_796 = arith.constant 15 : i32
      %and3A_797 = vector.broadcast %and3A_796 : i32 to vector<16xi32>
      %and3A_798 = arith.andi %get3A_792, %and3A_797 : vector<16xi32>
      tpu.vector_store_idx %arg13[%shift_right_logical3A_795, %and3A_798], %broadcast_in_dim3A_56 {add = true} : memref<640x16xf32, #tpu.memory_space<vmem>>[vector<16xi32>, vector<16xi32>], vector<16xf32>,
      %ge3A_799 = arith.constant 1 : i32
      %ge3A_800 = arith.cmpi sge, %add3A_713, %ge3A_799 : i32
      %convert_element_type3A_801 = arith.extui %ge3A_800 : i1 to i32
      %cond3A_802 = arith.constant 0 : i32
      %cond3A_803 = arith.cmpi ne, %convert_element_type3A_801, %cond3A_802 : i32
      scf.if %cond3A_803 {
        %sub3A = arith.constant 1 : i32
        %sub3A_917 = arith.subi %add3A_713, %sub3A : i32
        %dma_wait3A_918 = arith.constant 0 : i32
        %dma_wait3A_919 = tpu.memref_slice %arg8[%sub3A_917, %dma_wait3A_918] : memref<160x128xi32, #tpu.memory_space<vmem>> -> memref<1x128xi32, #tpu.memory_space<vmem>>
        %dma_wait3A_920 = tpu.memref_squeeze %dma_wait3A_919 : memref<1x128xi32, #tpu.memory_space<vmem>> -> memref<128xi32, #tpu.memory_space<vmem>>
        %dma_wait3A_921 = arith.constant 0 : i32
        %dma_wait3A_922 = arith.constant 0 : i32
        %dma_wait3A_923 = tpu.memref_slice %arg16[%dma_wait3A_921, %dma_wait3A_922] : memref<10240x64xf32, #tpu.memory_space<vmem_shared>> -> memref<10240x64xf32, #tpu.memory_space<vmem_shared>>
        tpu.wait_indirect_dma semaphore(%arg21 : memref<!tpu.dma_semaphore, #tpu.memory_space<semaphore_mem>>) src(%arg12 : memref<128x64xf32, #tpu.memory_space<vmem>>) dst(%dma_wait3A_923 : memref<10240x64xf32, #tpu.memory_space<vmem_shared>>)
      } else {
      }
      %add3A_804 = arith.constant 1 : i32
      %add3A_805 = arith.addi %add3A_713, %add3A_804 : i32
      %dma_start3A_806 = arith.constant 3 : i32
      %dma_start3A_807 = arith.constant 0 : i32
      %dma_start3A_808 = tpu.memref_slice %arg10[%dma_start3A_806, %dma_start3A_807] : memref<4x128xi32, #tpu.memory_space<vmem>> -> memref<1x128xi32, #tpu.memory_space<vmem>>
      %dma_start3A_809 = tpu.memref_squeeze %dma_start3A_808 : memref<1x128xi32, #tpu.memory_space<vmem>> -> memref<128xi32, #tpu.memory_space<vmem>>
      %dma_start3A_810 = arith.constant 0 : i32
      %dma_start3A_811 = arith.constant 0 : i32
      %dma_start3A_812 = tpu.memref_slice %arg15[%dma_start3A_810, %dma_start3A_811] : memref<10000x64xf32, #tpu.memory_space<vmem_shared>> -> memref<10000x64xf32, #tpu.memory_space<vmem_shared>>
      tpu.enqueue_indirect_dma source(%dma_start3A_812 : memref<10000x64xf32, #tpu.memory_space<vmem_shared>>) target(%arg12 : memref<128x64xf32, #tpu.memory_space<vmem>>) offsets(%dma_start3A_809 : memref<128xi32, #tpu.memory_space<vmem>>) semaphore(%arg19 : memref<!tpu.dma_semaphore, #tpu.memory_space<semaphore_mem>>)
      %add3A_813 = arith.constant 7 : i32
      %add3A_814 = arith.addi %mul3A_96, %add3A_813 : i32
      %dma_wait3A_815 = arith.constant 3 : i32
      %dma_wait3A_816 = arith.constant 0 : i32
      %dma_wait3A_817 = tpu.memref_slice %arg10[%dma_wait3A_815, %dma_wait3A_816] : memref<4x128xi32, #tpu.memory_space<vmem>> -> memref<1x128xi32, #tpu.memory_space<vmem>>
      %dma_wait3A_818 = tpu.memref_squeeze %dma_wait3A_817 : memref<1x128xi32, #tpu.memory_space<vmem>> -> memref<128xi32, #tpu.memory_space<vmem>>
      %dma_wait3A_819 = arith.constant 0 : i32
      %dma_wait3A_820 = arith.constant 0 : i32
      %dma_wait3A_821 = tpu.memref_slice %arg15[%dma_wait3A_819, %dma_wait3A_820] : memref<10000x64xf32, #tpu.memory_space<vmem_shared>> -> memref<10000x64xf32, #tpu.memory_space<vmem_shared>>
      tpu.wait_indirect_dma semaphore(%arg19 : memref<!tpu.dma_semaphore, #tpu.memory_space<semaphore_mem>>) src(%dma_wait3A_821 : memref<10000x64xf32, #tpu.memory_space<vmem_shared>>) dst(%arg12 : memref<128x64xf32, #tpu.memory_space<vmem>>)
      %lt3A_822 = arith.constant 19 : i32
      %lt3A_823 = arith.cmpi slt, %scan3A_94, %lt3A_822 : i32
      %convert_element_type3A_824 = arith.extui %lt3A_823 : i1 to i32
      %cond3A_825 = arith.constant 0 : i32
      %cond3A_826 = arith.cmpi ne, %convert_element_type3A_824, %cond3A_825 : i32
      scf.if %cond3A_826 {
        %mul3A_917 = arith.constant 2 : i32
        %mul3A_918 = arith.muli %mul3A_917, %scan3A_94 : i32
        %add3A_919 = arith.constant 3 : i32
        %add3A_920 = arith.addi %mul3A_918, %add3A_919 : i32
        %mul3A_921 = arith.constant 4 : i32
        %mul3A_922 = arith.muli %add3A_920, %mul3A_921 : i32
        %dma_start3A_923 = arith.constant 0 : i32
        %dma_start3A_924 = tpu.memref_slice %arg3[%arg1, %mul3A_922, %dma_start3A_923] : memref<16x160x128xi32, #tpu.memory_space<hbm>> -> memref<1x4x128xi32, #tpu.memory_space<hbm>>
        %dma_start3A_925 = tpu.memref_squeeze %dma_start3A_924 : memref<1x4x128xi32, #tpu.memory_space<hbm>> -> memref<4x128xi32, #tpu.memory_space<hbm>>
        %dma_start3A_926 = arith.constant 0 : i32
        %dma_start3A_927 = tpu.memref_slice %arg3[%arg1, %mul3A_922, %dma_start3A_926] : memref<16x160x128xi32, #tpu.memory_space<hbm>> -> memref<1x4x128xi32, #tpu.memory_space<hbm>>
        %dma_start3A_928 = tpu.memref_squeeze %dma_start3A_927 : memref<1x4x128xi32, #tpu.memory_space<hbm>> -> memref<4x128xi32, #tpu.memory_space<hbm>>
        tpu.enqueue_dma source(%dma_start3A_928 : memref<4x128xi32, #tpu.memory_space<hbm>>) target(%arg10 : memref<4x128xi32, #tpu.memory_space<vmem>>) target_semaphore(%arg23 : memref<!tpu.dma_semaphore, #tpu.memory_space<semaphore_mem>>)
      } else {
      }
      %dma_start3A_827 = arith.constant 0 : i32
      %dma_start3A_828 = tpu.memref_slice %arg8[%add3A_814, %dma_start3A_827] : memref<160x128xi32, #tpu.memory_space<vmem>> -> memref<1x128xi32, #tpu.memory_space<vmem>>
      %dma_start3A_829 = tpu.memref_squeeze %dma_start3A_828 : memref<1x128xi32, #tpu.memory_space<vmem>> -> memref<128xi32, #tpu.memory_space<vmem>>
      %dma_start3A_830 = arith.constant 0 : i32
      %dma_start3A_831 = arith.constant 0 : i32
      %dma_start3A_832 = tpu.memref_slice %arg16[%dma_start3A_830, %dma_start3A_831] : memref<10240x64xf32, #tpu.memory_space<vmem_shared>> -> memref<10240x64xf32, #tpu.memory_space<vmem_shared>>
      tpu.enqueue_indirect_dma source(%arg12 : memref<128x64xf32, #tpu.memory_space<vmem>>) target(%dma_start3A_832 : memref<10240x64xf32, #tpu.memory_space<vmem_shared>>) offsets(%dma_start3A_829 : memref<128xi32, #tpu.memory_space<vmem>>) semaphore(%arg21 : memref<!tpu.dma_semaphore, #tpu.memory_space<semaphore_mem>>) {add = true}
      %get3A_833 = arith.index_cast %add3A_814 : i32 to index
      %get3A_834 = arith.constant 0 : index
      %get3A_835 = tpu.vector_load %arg8[%get3A_833, %get3A_834] {strides = array<i32>} : memref<160x128xi32, #tpu.memory_space<vmem>>, vector<16xi32>,
      %shift_right_logical3A_836 = arith.constant 4 : i32
      %shift_right_logical3A_837 = vector.broadcast %shift_right_logical3A_836 : i32 to vector<16xi32>
      %shift_right_logical3A_838 = arith.shrui %get3A_835, %shift_right_logical3A_837 : vector<16xi32>
      %and3A_839 = arith.constant 15 : i32
      %and3A_840 = vector.broadcast %and3A_839 : i32 to vector<16xi32>
      %and3A_841 = arith.andi %get3A_835, %and3A_840 : vector<16xi32>
      tpu.vector_store_idx %arg13[%shift_right_logical3A_838, %and3A_841], %broadcast_in_dim3A_56 {add = true} : memref<640x16xf32, #tpu.memory_space<vmem>>[vector<16xi32>, vector<16xi32>], vector<16xf32>,
      %get3A_842 = arith.index_cast %add3A_814 : i32 to index
      %get3A_843 = arith.constant 16 : index
      %get3A_844 = tpu.vector_load %arg8[%get3A_842, %get3A_843] {strides = array<i32>} : memref<160x128xi32, #tpu.memory_space<vmem>>, vector<16xi32>,
      %shift_right_logical3A_845 = arith.constant 4 : i32
      %shift_right_logical3A_846 = vector.broadcast %shift_right_logical3A_845 : i32 to vector<16xi32>
      %shift_right_logical3A_847 = arith.shrui %get3A_844, %shift_right_logical3A_846 : vector<16xi32>
      %and3A_848 = arith.constant 15 : i32
      %and3A_849 = vector.broadcast %and3A_848 : i32 to vector<16xi32>
      %and3A_850 = arith.andi %get3A_844, %and3A_849 : vector<16xi32>
      tpu.vector_store_idx %arg13[%shift_right_logical3A_847, %and3A_850], %broadcast_in_dim3A_56 {add = true} : memref<640x16xf32, #tpu.memory_space<vmem>>[vector<16xi32>, vector<16xi32>], vector<16xf32>,
      %get3A_851 = arith.index_cast %add3A_814 : i32 to index
      %get3A_852 = arith.constant 32 : index
      %get3A_853 = tpu.vector_load %arg8[%get3A_851, %get3A_852] {strides = array<i32>} : memref<160x128xi32, #tpu.memory_space<vmem>>, vector<16xi32>,
      %shift_right_logical3A_854 = arith.constant 4 : i32
      %shift_right_logical3A_855 = vector.broadcast %shift_right_logical3A_854 : i32 to vector<16xi32>
      %shift_right_logical3A_856 = arith.shrui %get3A_853, %shift_right_logical3A_855 : vector<16xi32>
      %and3A_857 = arith.constant 15 : i32
      %and3A_858 = vector.broadcast %and3A_857 : i32 to vector<16xi32>
      %and3A_859 = arith.andi %get3A_853, %and3A_858 : vector<16xi32>
      tpu.vector_store_idx %arg13[%shift_right_logical3A_856, %and3A_859], %broadcast_in_dim3A_56 {add = true} : memref<640x16xf32, #tpu.memory_space<vmem>>[vector<16xi32>, vector<16xi32>], vector<16xf32>,
      %get3A_860 = arith.index_cast %add3A_814 : i32 to index
      %get3A_861 = arith.constant 48 : index
      %get3A_862 = tpu.vector_load %arg8[%get3A_860, %get3A_861] {strides = array<i32>} : memref<160x128xi32, #tpu.memory_space<vmem>>, vector<16xi32>,
      %shift_right_logical3A_863 = arith.constant 4 : i32
      %shift_right_logical3A_864 = vector.broadcast %shift_right_logical3A_863 : i32 to vector<16xi32>
      %shift_right_logical3A_865 = arith.shrui %get3A_862, %shift_right_logical3A_864 : vector<16xi32>
      %and3A_866 = arith.constant 15 : i32
      %and3A_867 = vector.broadcast %and3A_866 : i32 to vector<16xi32>
      %and3A_868 = arith.andi %get3A_862, %and3A_867 : vector<16xi32>
      tpu.vector_store_idx %arg13[%shift_right_logical3A_865, %and3A_868], %broadcast_in_dim3A_56 {add = true} : memref<640x16xf32, #tpu.memory_space<vmem>>[vector<16xi32>, vector<16xi32>], vector<16xf32>,
      %get3A_869 = arith.index_cast %add3A_814 : i32 to index
      %get3A_870 = arith.constant 64 : index
      %get3A_871 = tpu.vector_load %arg8[%get3A_869, %get3A_870] {strides = array<i32>} : memref<160x128xi32, #tpu.memory_space<vmem>>, vector<16xi32>,
      %shift_right_logical3A_872 = arith.constant 4 : i32
      %shift_right_logical3A_873 = vector.broadcast %shift_right_logical3A_872 : i32 to vector<16xi32>
      %shift_right_logical3A_874 = arith.shrui %get3A_871, %shift_right_logical3A_873 : vector<16xi32>
      %and3A_875 = arith.constant 15 : i32
      %and3A_876 = vector.broadcast %and3A_875 : i32 to vector<16xi32>
      %and3A_877 = arith.andi %get3A_871, %and3A_876 : vector<16xi32>
      tpu.vector_store_idx %arg13[%shift_right_logical3A_874, %and3A_877], %broadcast_in_dim3A_56 {add = true} : memref<640x16xf32, #tpu.memory_space<vmem>>[vector<16xi32>, vector<16xi32>], vector<16xf32>,
      %get3A_878 = arith.index_cast %add3A_814 : i32 to index
      %get3A_879 = arith.constant 80 : index
      %get3A_880 = tpu.vector_load %arg8[%get3A_878, %get3A_879] {strides = array<i32>} : memref<160x128xi32, #tpu.memory_space<vmem>>, vector<16xi32>,
      %shift_right_logical3A_881 = arith.constant 4 : i32
      %shift_right_logical3A_882 = vector.broadcast %shift_right_logical3A_881 : i32 to vector<16xi32>
      %shift_right_logical3A_883 = arith.shrui %get3A_880, %shift_right_logical3A_882 : vector<16xi32>
      %and3A_884 = arith.constant 15 : i32
      %and3A_885 = vector.broadcast %and3A_884 : i32 to vector<16xi32>
      %and3A_886 = arith.andi %get3A_880, %and3A_885 : vector<16xi32>
      tpu.vector_store_idx %arg13[%shift_right_logical3A_883, %and3A_886], %broadcast_in_dim3A_56 {add = true} : memref<640x16xf32, #tpu.memory_space<vmem>>[vector<16xi32>, vector<16xi32>], vector<16xf32>,
      %get3A_887 = arith.index_cast %add3A_814 : i32 to index
      %get3A_888 = arith.constant 96 : index
      %get3A_889 = tpu.vector_load %arg8[%get3A_887, %get3A_888] {strides = array<i32>} : memref<160x128xi32, #tpu.memory_space<vmem>>, vector<16xi32>,
      %shift_right_logical3A_890 = arith.constant 4 : i32
      %shift_right_logical3A_891 = vector.broadcast %shift_right_logical3A_890 : i32 to vector<16xi32>
      %shift_right_logical3A_892 = arith.shrui %get3A_889, %shift_right_logical3A_891 : vector<16xi32>
      %and3A_893 = arith.constant 15 : i32
      %and3A_894 = vector.broadcast %and3A_893 : i32 to vector<16xi32>
      %and3A_895 = arith.andi %get3A_889, %and3A_894 : vector<16xi32>
      tpu.vector_store_idx %arg13[%shift_right_logical3A_892, %and3A_895], %broadcast_in_dim3A_56 {add = true} : memref<640x16xf32, #tpu.memory_space<vmem>>[vector<16xi32>, vector<16xi32>], vector<16xf32>,
      %get3A_896 = arith.index_cast %add3A_814 : i32 to index
      %get3A_897 = arith.constant 112 : index
      %get3A_898 = tpu.vector_load %arg8[%get3A_896, %get3A_897] {strides = array<i32>} : memref<160x128xi32, #tpu.memory_space<vmem>>, vector<16xi32>,
      %shift_right_logical3A_899 = arith.constant 4 : i32
      %shift_right_logical3A_900 = vector.broadcast %shift_right_logical3A_899 : i32 to vector<16xi32>
      %shift_right_logical3A_901 = arith.shrui %get3A_898, %shift_right_logical3A_900 : vector<16xi32>
      %and3A_902 = arith.constant 15 : i32
      %and3A_903 = vector.broadcast %and3A_902 : i32 to vector<16xi32>
      %and3A_904 = arith.andi %get3A_898, %and3A_903 : vector<16xi32>
      tpu.vector_store_idx %arg13[%shift_right_logical3A_901, %and3A_904], %broadcast_in_dim3A_56 {add = true} : memref<640x16xf32, #tpu.memory_space<vmem>>[vector<16xi32>, vector<16xi32>], vector<16xf32>,
      %ge3A_905 = arith.constant 1 : i32
      %ge3A_906 = arith.cmpi sge, %add3A_814, %ge3A_905 : i32
      %convert_element_type3A_907 = arith.extui %ge3A_906 : i1 to i32
      %cond3A_908 = arith.constant 0 : i32
      %cond3A_909 = arith.cmpi ne, %convert_element_type3A_907, %cond3A_908 : i32
      scf.if %cond3A_909 {
        %sub3A = arith.constant 1 : i32
        %sub3A_917 = arith.subi %add3A_814, %sub3A : i32
        %dma_wait3A_918 = arith.constant 0 : i32
        %dma_wait3A_919 = tpu.memref_slice %arg8[%sub3A_917, %dma_wait3A_918] : memref<160x128xi32, #tpu.memory_space<vmem>> -> memref<1x128xi32, #tpu.memory_space<vmem>>
        %dma_wait3A_920 = tpu.memref_squeeze %dma_wait3A_919 : memref<1x128xi32, #tpu.memory_space<vmem>> -> memref<128xi32, #tpu.memory_space<vmem>>
        %dma_wait3A_921 = arith.constant 0 : i32
        %dma_wait3A_922 = arith.constant 0 : i32
        %dma_wait3A_923 = tpu.memref_slice %arg16[%dma_wait3A_921, %dma_wait3A_922] : memref<10240x64xf32, #tpu.memory_space<vmem_shared>> -> memref<10240x64xf32, #tpu.memory_space<vmem_shared>>
        tpu.wait_indirect_dma semaphore(%arg20 : memref<!tpu.dma_semaphore, #tpu.memory_space<semaphore_mem>>) src(%arg11 : memref<128x64xf32, #tpu.memory_space<vmem>>) dst(%dma_wait3A_923 : memref<10240x64xf32, #tpu.memory_space<vmem_shared>>)
      } else {
      }
      %add3A_910 = arith.constant 1 : i32
      %add3A_911 = arith.addi %add3A_814, %add3A_910 : i32
      %lt3A_912 = arith.constant 160 : i32
      %lt3A_913 = arith.cmpi slt, %add3A_911, %lt3A_912 : i32
      %convert_element_type3A_914 = arith.extui %lt3A_913 : i1 to i32
      %cond3A_915 = arith.constant 0 : i32
      %cond3A_916 = arith.cmpi ne, %convert_element_type3A_914, %cond3A_915 : i32
      scf.if %cond3A_916 {
        %mul3A_917 = arith.constant 2 : i32
        %mul3A_918 = arith.muli %mul3A_917, %scan3A_94 : i32
        %add3A_919 = arith.constant 2 : i32
        %add3A_920 = arith.addi %mul3A_918, %add3A_919 : i32
        %mul3A_921 = arith.constant 4 : i32
        %mul3A_922 = arith.muli %add3A_920, %mul3A_921 : i32
        %dma_wait3A_923 = arith.constant 0 : i32
        %dma_wait3A_924 = tpu.memref_slice %arg3[%arg1, %mul3A_922, %dma_wait3A_923] : memref<16x160x128xi32, #tpu.memory_space<hbm>> -> memref<1x4x128xi32, #tpu.memory_space<hbm>>
        %dma_wait3A_925 = tpu.memref_squeeze %dma_wait3A_924 : memref<1x4x128xi32, #tpu.memory_space<hbm>> -> memref<4x128xi32, #tpu.memory_space<hbm>>
        %dma_wait3A_926 = arith.constant 0 : i32
        %dma_wait3A_927 = tpu.memref_slice %arg3[%arg1, %mul3A_922, %dma_wait3A_926] : memref<16x160x128xi32, #tpu.memory_space<hbm>> -> memref<1x4x128xi32, #tpu.memory_space<hbm>>
        %dma_wait3A_928 = tpu.memref_squeeze %dma_wait3A_927 : memref<1x4x128xi32, #tpu.memory_space<hbm>> -> memref<4x128xi32, #tpu.memory_space<hbm>>
        tpu.wait_dma2 semaphore(%arg22 : memref<!tpu.dma_semaphore, #tpu.memory_space<semaphore_mem>>) src(%dma_wait3A_928 : memref<4x128xi32, #tpu.memory_space<hbm>>) dst(%arg9 : memref<4x128xi32, #tpu.memory_space<vmem>>)
        %add3A_929 = arith.constant 1 : i32
        %add3A_930 = arith.addi %add3A_814, %add3A_929 : i32
        %dma_start3A_931 = arith.constant 0 : i32
        %dma_start3A_932 = arith.constant 0 : i32
        %dma_start3A_933 = tpu.memref_slice %arg9[%dma_start3A_931, %dma_start3A_932] : memref<4x128xi32, #tpu.memory_space<vmem>> -> memref<1x128xi32, #tpu.memory_space<vmem>>
        %dma_start3A_934 = tpu.memref_squeeze %dma_start3A_933 : memref<1x128xi32, #tpu.memory_space<vmem>> -> memref<128xi32, #tpu.memory_space<vmem>>
        %dma_start3A_935 = arith.constant 0 : i32
        %dma_start3A_936 = arith.constant 0 : i32
        %dma_start3A_937 = tpu.memref_slice %arg15[%dma_start3A_935, %dma_start3A_936] : memref<10000x64xf32, #tpu.memory_space<vmem_shared>> -> memref<10000x64xf32, #tpu.memory_space<vmem_shared>>
        tpu.enqueue_indirect_dma source(%dma_start3A_937 : memref<10000x64xf32, #tpu.memory_space<vmem_shared>>) target(%arg11 : memref<128x64xf32, #tpu.memory_space<vmem>>) offsets(%dma_start3A_934 : memref<128xi32, #tpu.memory_space<vmem>>) semaphore(%arg18 : memref<!tpu.dma_semaphore, #tpu.memory_space<semaphore_mem>>)
      } else {
      }
    }
    %scan3A_77 = arith.constant 20 : i32
    %dma_wait3A_78 = arith.constant 159 : i32
    %dma_wait3A_79 = arith.constant 0 : i32
    %dma_wait3A_80 = tpu.memref_slice %arg8[%dma_wait3A_78, %dma_wait3A_79] : memref<160x128xi32, #tpu.memory_space<vmem>> -> memref<1x128xi32, #tpu.memory_space<vmem>>
    %dma_wait3A_81 = tpu.memref_squeeze %dma_wait3A_80 : memref<1x128xi32, #tpu.memory_space<vmem>> -> memref<128xi32, #tpu.memory_space<vmem>>
    %dma_wait3A_82 = arith.constant 0 : i32
    %dma_wait3A_83 = arith.constant 0 : i32
    %dma_wait3A_84 = tpu.memref_slice %arg16[%dma_wait3A_82, %dma_wait3A_83] : memref<10240x64xf32, #tpu.memory_space<vmem_shared>> -> memref<10240x64xf32, #tpu.memory_space<vmem_shared>>
    tpu.wait_indirect_dma semaphore(%arg21 : memref<!tpu.dma_semaphore, #tpu.memory_space<semaphore_mem>>) src(%arg12 : memref<128x64xf32, #tpu.memory_space<vmem>>) dst(%dma_wait3A_84 : memref<10240x64xf32, #tpu.memory_space<vmem_shared>>)
    %run_scoped3A = arith.constant 0 : i32
    "tpu.region"() ({
      %run_scoped3A_94 = tpu.sem_alloc : memref<!tpu.dma_semaphore, #tpu.memory_space<semaphore_mem>>
      %dma_start3A_95 = arith.constant 0 : i32
      %dma_start3A_96 = arith.constant 0 : i32
      %dma_start3A_97 = tpu.memref_slice %arg13[%dma_start3A_95, %dma_start3A_96] : memref<640x16xf32, #tpu.memory_space<vmem>> -> memref<128x16xf32, #tpu.memory_space<vmem>>
      %dma_start3A_98 = arith.constant 0 : i32
      %dma_start3A_99 = tpu.memref_slice %arg14[%run_scoped3A, %dma_start3A_98] : memref<5x128xi32, #tpu.memory_space<vmem>> -> memref<1x128xi32, #tpu.memory_space<vmem>>
      %dma_start3A_100 = tpu.memref_squeeze %dma_start3A_99 : memref<1x128xi32, #tpu.memory_space<vmem>> -> memref<128xi32, #tpu.memory_space<vmem>>
      %dma_start3A_101 = arith.constant 0 : i32
      %dma_start3A_102 = arith.constant 0 : i32
      %dma_start3A_103 = tpu.memref_slice %arg17[%dma_start3A_101, %dma_start3A_102] : memref<640x16xf32, #tpu.memory_space<vmem_shared>> -> memref<640x16xf32, #tpu.memory_space<vmem_shared>>
      tpu.enqueue_indirect_dma source(%dma_start3A_97 : memref<128x16xf32, #tpu.memory_space<vmem>>) target(%dma_start3A_103 : memref<640x16xf32, #tpu.memory_space<vmem_shared>>) offsets(%dma_start3A_100 : memref<128xi32, #tpu.memory_space<vmem>>) semaphore(%run_scoped3A_94 : memref<!tpu.dma_semaphore, #tpu.memory_space<semaphore_mem>>) {add = true}
      %dma_wait3A_104 = arith.constant 0 : i32
      %dma_wait3A_105 = arith.constant 0 : i32
      %dma_wait3A_106 = tpu.memref_slice %arg13[%dma_wait3A_104, %dma_wait3A_105] : memref<640x16xf32, #tpu.memory_space<vmem>> -> memref<128x16xf32, #tpu.memory_space<vmem>>
      %dma_wait3A_107 = arith.constant 0 : i32
      %dma_wait3A_108 = tpu.memref_slice %arg14[%run_scoped3A, %dma_wait3A_107] : memref<5x128xi32, #tpu.memory_space<vmem>> -> memref<1x128xi32, #tpu.memory_space<vmem>>
      %dma_wait3A_109 = tpu.memref_squeeze %dma_wait3A_108 : memref<1x128xi32, #tpu.memory_space<vmem>> -> memref<128xi32, #tpu.memory_space<vmem>>
      %dma_wait3A_110 = arith.constant 0 : i32
      %dma_wait3A_111 = arith.constant 0 : i32
      %dma_wait3A_112 = tpu.memref_slice %arg17[%dma_wait3A_110, %dma_wait3A_111] : memref<640x16xf32, #tpu.memory_space<vmem_shared>> -> memref<640x16xf32, #tpu.memory_space<vmem_shared>>
      tpu.wait_indirect_dma semaphore(%run_scoped3A_94 : memref<!tpu.dma_semaphore, #tpu.memory_space<semaphore_mem>>) src(%dma_wait3A_106 : memref<128x16xf32, #tpu.memory_space<vmem>>) dst(%dma_wait3A_112 : memref<640x16xf32, #tpu.memory_space<vmem_shared>>)
      tpu.yield
    }) : () -> ()
    %run_scoped3A_85 = arith.constant 1 : i32
    "tpu.region"() ({
      %run_scoped3A_94 = tpu.sem_alloc : memref<!tpu.dma_semaphore, #tpu.memory_space<semaphore_mem>>
      %dma_start3A_95 = arith.constant 128 : i32
      %dma_start3A_96 = arith.constant 0 : i32
      %dma_start3A_97 = tpu.memref_slice %arg13[%dma_start3A_95, %dma_start3A_96] : memref<640x16xf32, #tpu.memory_space<vmem>> -> memref<128x16xf32, #tpu.memory_space<vmem>>
      %dma_start3A_98 = arith.constant 0 : i32
      %dma_start3A_99 = tpu.memref_slice %arg14[%run_scoped3A_85, %dma_start3A_98] : memref<5x128xi32, #tpu.memory_space<vmem>> -> memref<1x128xi32, #tpu.memory_space<vmem>>
      %dma_start3A_100 = tpu.memref_squeeze %dma_start3A_99 : memref<1x128xi32, #tpu.memory_space<vmem>> -> memref<128xi32, #tpu.memory_space<vmem>>
      %dma_start3A_101 = arith.constant 0 : i32
      %dma_start3A_102 = arith.constant 0 : i32
      %dma_start3A_103 = tpu.memref_slice %arg17[%dma_start3A_101, %dma_start3A_102] : memref<640x16xf32, #tpu.memory_space<vmem_shared>> -> memref<640x16xf32, #tpu.memory_space<vmem_shared>>
      tpu.enqueue_indirect_dma source(%dma_start3A_97 : memref<128x16xf32, #tpu.memory_space<vmem>>) target(%dma_start3A_103 : memref<640x16xf32, #tpu.memory_space<vmem_shared>>) offsets(%dma_start3A_100 : memref<128xi32, #tpu.memory_space<vmem>>) semaphore(%run_scoped3A_94 : memref<!tpu.dma_semaphore, #tpu.memory_space<semaphore_mem>>) {add = true}
      %dma_wait3A_104 = arith.constant 128 : i32
      %dma_wait3A_105 = arith.constant 0 : i32
      %dma_wait3A_106 = tpu.memref_slice %arg13[%dma_wait3A_104, %dma_wait3A_105] : memref<640x16xf32, #tpu.memory_space<vmem>> -> memref<128x16xf32, #tpu.memory_space<vmem>>
      %dma_wait3A_107 = arith.constant 0 : i32
      %dma_wait3A_108 = tpu.memref_slice %arg14[%run_scoped3A_85, %dma_wait3A_107] : memref<5x128xi32, #tpu.memory_space<vmem>> -> memref<1x128xi32, #tpu.memory_space<vmem>>
      %dma_wait3A_109 = tpu.memref_squeeze %dma_wait3A_108 : memref<1x128xi32, #tpu.memory_space<vmem>> -> memref<128xi32, #tpu.memory_space<vmem>>
      %dma_wait3A_110 = arith.constant 0 : i32
      %dma_wait3A_111 = arith.constant 0 : i32
      %dma_wait3A_112 = tpu.memref_slice %arg17[%dma_wait3A_110, %dma_wait3A_111] : memref<640x16xf32, #tpu.memory_space<vmem_shared>> -> memref<640x16xf32, #tpu.memory_space<vmem_shared>>
      tpu.wait_indirect_dma semaphore(%run_scoped3A_94 : memref<!tpu.dma_semaphore, #tpu.memory_space<semaphore_mem>>) src(%dma_wait3A_106 : memref<128x16xf32, #tpu.memory_space<vmem>>) dst(%dma_wait3A_112 : memref<640x16xf32, #tpu.memory_space<vmem_shared>>)
      tpu.yield
    }) : () -> ()
    %run_scoped3A_86 = arith.constant 2 : i32
    "tpu.region"() ({
      %run_scoped3A_94 = tpu.sem_alloc : memref<!tpu.dma_semaphore, #tpu.memory_space<semaphore_mem>>
      %dma_start3A_95 = arith.constant 256 : i32
      %dma_start3A_96 = arith.constant 0 : i32
      %dma_start3A_97 = tpu.memref_slice %arg13[%dma_start3A_95, %dma_start3A_96] : memref<640x16xf32, #tpu.memory_space<vmem>> -> memref<128x16xf32, #tpu.memory_space<vmem>>
      %dma_start3A_98 = arith.constant 0 : i32
      %dma_start3A_99 = tpu.memref_slice %arg14[%run_scoped3A_86, %dma_start3A_98] : memref<5x128xi32, #tpu.memory_space<vmem>> -> memref<1x128xi32, #tpu.memory_space<vmem>>
      %dma_start3A_100 = tpu.memref_squeeze %dma_start3A_99 : memref<1x128xi32, #tpu.memory_space<vmem>> -> memref<128xi32, #tpu.memory_space<vmem>>
      %dma_start3A_101 = arith.constant 0 : i32
      %dma_start3A_102 = arith.constant 0 : i32
      %dma_start3A_103 = tpu.memref_slice %arg17[%dma_start3A_101, %dma_start3A_102] : memref<640x16xf32, #tpu.memory_space<vmem_shared>> -> memref<640x16xf32, #tpu.memory_space<vmem_shared>>
      tpu.enqueue_indirect_dma source(%dma_start3A_97 : memref<128x16xf32, #tpu.memory_space<vmem>>) target(%dma_start3A_103 : memref<640x16xf32, #tpu.memory_space<vmem_shared>>) offsets(%dma_start3A_100 : memref<128xi32, #tpu.memory_space<vmem>>) semaphore(%run_scoped3A_94 : memref<!tpu.dma_semaphore, #tpu.memory_space<semaphore_mem>>) {add = true}
      %dma_wait3A_104 = arith.constant 256 : i32
      %dma_wait3A_105 = arith.constant 0 : i32
      %dma_wait3A_106 = tpu.memref_slice %arg13[%dma_wait3A_104, %dma_wait3A_105] : memref<640x16xf32, #tpu.memory_space<vmem>> -> memref<128x16xf32, #tpu.memory_space<vmem>>
      %dma_wait3A_107 = arith.constant 0 : i32
      %dma_wait3A_108 = tpu.memref_slice %arg14[%run_scoped3A_86, %dma_wait3A_107] : memref<5x128xi32, #tpu.memory_space<vmem>> -> memref<1x128xi32, #tpu.memory_space<vmem>>
      %dma_wait3A_109 = tpu.memref_squeeze %dma_wait3A_108 : memref<1x128xi32, #tpu.memory_space<vmem>> -> memref<128xi32, #tpu.memory_space<vmem>>
      %dma_wait3A_110 = arith.constant 0 : i32
      %dma_wait3A_111 = arith.constant 0 : i32
      %dma_wait3A_112 = tpu.memref_slice %arg17[%dma_wait3A_110, %dma_wait3A_111] : memref<640x16xf32, #tpu.memory_space<vmem_shared>> -> memref<640x16xf32, #tpu.memory_space<vmem_shared>>
      tpu.wait_indirect_dma semaphore(%run_scoped3A_94 : memref<!tpu.dma_semaphore, #tpu.memory_space<semaphore_mem>>) src(%dma_wait3A_106 : memref<128x16xf32, #tpu.memory_space<vmem>>) dst(%dma_wait3A_112 : memref<640x16xf32, #tpu.memory_space<vmem_shared>>)
      tpu.yield
    }) : () -> ()
    %run_scoped3A_87 = arith.constant 3 : i32
    "tpu.region"() ({
      %run_scoped3A_94 = tpu.sem_alloc : memref<!tpu.dma_semaphore, #tpu.memory_space<semaphore_mem>>
      %dma_start3A_95 = arith.constant 384 : i32
      %dma_start3A_96 = arith.constant 0 : i32
      %dma_start3A_97 = tpu.memref_slice %arg13[%dma_start3A_95, %dma_start3A_96] : memref<640x16xf32, #tpu.memory_space<vmem>> -> memref<128x16xf32, #tpu.memory_space<vmem>>
      %dma_start3A_98 = arith.constant 0 : i32
      %dma_start3A_99 = tpu.memref_slice %arg14[%run_scoped3A_87, %dma_start3A_98] : memref<5x128xi32, #tpu.memory_space<vmem>> -> memref<1x128xi32, #tpu.memory_space<vmem>>
      %dma_start3A_100 = tpu.memref_squeeze %dma_start3A_99 : memref<1x128xi32, #tpu.memory_space<vmem>> -> memref<128xi32, #tpu.memory_space<vmem>>
      %dma_start3A_101 = arith.constant 0 : i32
      %dma_start3A_102 = arith.constant 0 : i32
      %dma_start3A_103 = tpu.memref_slice %arg17[%dma_start3A_101, %dma_start3A_102] : memref<640x16xf32, #tpu.memory_space<vmem_shared>> -> memref<640x16xf32, #tpu.memory_space<vmem_shared>>
      tpu.enqueue_indirect_dma source(%dma_start3A_97 : memref<128x16xf32, #tpu.memory_space<vmem>>) target(%dma_start3A_103 : memref<640x16xf32, #tpu.memory_space<vmem_shared>>) offsets(%dma_start3A_100 : memref<128xi32, #tpu.memory_space<vmem>>) semaphore(%run_scoped3A_94 : memref<!tpu.dma_semaphore, #tpu.memory_space<semaphore_mem>>) {add = true}
      %dma_wait3A_104 = arith.constant 384 : i32
      %dma_wait3A_105 = arith.constant 0 : i32
      %dma_wait3A_106 = tpu.memref_slice %arg13[%dma_wait3A_104, %dma_wait3A_105] : memref<640x16xf32, #tpu.memory_space<vmem>> -> memref<128x16xf32, #tpu.memory_space<vmem>>
      %dma_wait3A_107 = arith.constant 0 : i32
      %dma_wait3A_108 = tpu.memref_slice %arg14[%run_scoped3A_87, %dma_wait3A_107] : memref<5x128xi32, #tpu.memory_space<vmem>> -> memref<1x128xi32, #tpu.memory_space<vmem>>
      %dma_wait3A_109 = tpu.memref_squeeze %dma_wait3A_108 : memref<1x128xi32, #tpu.memory_space<vmem>> -> memref<128xi32, #tpu.memory_space<vmem>>
      %dma_wait3A_110 = arith.constant 0 : i32
      %dma_wait3A_111 = arith.constant 0 : i32
      %dma_wait3A_112 = tpu.memref_slice %arg17[%dma_wait3A_110, %dma_wait3A_111] : memref<640x16xf32, #tpu.memory_space<vmem_shared>> -> memref<640x16xf32, #tpu.memory_space<vmem_shared>>
      tpu.wait_indirect_dma semaphore(%run_scoped3A_94 : memref<!tpu.dma_semaphore, #tpu.memory_space<semaphore_mem>>) src(%dma_wait3A_106 : memref<128x16xf32, #tpu.memory_space<vmem>>) dst(%dma_wait3A_112 : memref<640x16xf32, #tpu.memory_space<vmem_shared>>)
      tpu.yield
    }) : () -> ()
    %run_scoped3A_88 = arith.constant 4 : i32
    "tpu.region"() ({
      %run_scoped3A_94 = tpu.sem_alloc : memref<!tpu.dma_semaphore, #tpu.memory_space<semaphore_mem>>
      %dma_start3A_95 = arith.constant 512 : i32
      %dma_start3A_96 = arith.constant 0 : i32
      %dma_start3A_97 = tpu.memref_slice %arg13[%dma_start3A_95, %dma_start3A_96] : memref<640x16xf32, #tpu.memory_space<vmem>> -> memref<128x16xf32, #tpu.memory_space<vmem>>
      %dma_start3A_98 = arith.constant 0 : i32
      %dma_start3A_99 = tpu.memref_slice %arg14[%run_scoped3A_88, %dma_start3A_98] : memref<5x128xi32, #tpu.memory_space<vmem>> -> memref<1x128xi32, #tpu.memory_space<vmem>>
      %dma_start3A_100 = tpu.memref_squeeze %dma_start3A_99 : memref<1x128xi32, #tpu.memory_space<vmem>> -> memref<128xi32, #tpu.memory_space<vmem>>
      %dma_start3A_101 = arith.constant 0 : i32
      %dma_start3A_102 = arith.constant 0 : i32
      %dma_start3A_103 = tpu.memref_slice %arg17[%dma_start3A_101, %dma_start3A_102] : memref<640x16xf32, #tpu.memory_space<vmem_shared>> -> memref<640x16xf32, #tpu.memory_space<vmem_shared>>
      tpu.enqueue_indirect_dma source(%dma_start3A_97 : memref<128x16xf32, #tpu.memory_space<vmem>>) target(%dma_start3A_103 : memref<640x16xf32, #tpu.memory_space<vmem_shared>>) offsets(%dma_start3A_100 : memref<128xi32, #tpu.memory_space<vmem>>) semaphore(%run_scoped3A_94 : memref<!tpu.dma_semaphore, #tpu.memory_space<semaphore_mem>>) {add = true}
      %dma_wait3A_104 = arith.constant 512 : i32
      %dma_wait3A_105 = arith.constant 0 : i32
      %dma_wait3A_106 = tpu.memref_slice %arg13[%dma_wait3A_104, %dma_wait3A_105] : memref<640x16xf32, #tpu.memory_space<vmem>> -> memref<128x16xf32, #tpu.memory_space<vmem>>
      %dma_wait3A_107 = arith.constant 0 : i32
      %dma_wait3A_108 = tpu.memref_slice %arg14[%run_scoped3A_88, %dma_wait3A_107] : memref<5x128xi32, #tpu.memory_space<vmem>> -> memref<1x128xi32, #tpu.memory_space<vmem>>
      %dma_wait3A_109 = tpu.memref_squeeze %dma_wait3A_108 : memref<1x128xi32, #tpu.memory_space<vmem>> -> memref<128xi32, #tpu.memory_space<vmem>>
      %dma_wait3A_110 = arith.constant 0 : i32
      %dma_wait3A_111 = arith.constant 0 : i32
      %dma_wait3A_112 = tpu.memref_slice %arg17[%dma_wait3A_110, %dma_wait3A_111] : memref<640x16xf32, #tpu.memory_space<vmem_shared>> -> memref<640x16xf32, #tpu.memory_space<vmem_shared>>
      tpu.wait_indirect_dma semaphore(%run_scoped3A_94 : memref<!tpu.dma_semaphore, #tpu.memory_space<semaphore_mem>>) src(%dma_wait3A_106 : memref<128x16xf32, #tpu.memory_space<vmem>>) dst(%dma_wait3A_112 : memref<640x16xf32, #tpu.memory_space<vmem_shared>>)
      tpu.yield
    }) : () -> ()
    %barrier3A_89 = arith.constant 0 : index
    tpu.barrier barrier_id(%barrier3A_89)
    %mul3A_90 = arith.constant 640 : i32
    %mul3A_91 = arith.muli %arg1, %mul3A_90 : i32
    "tpu.region"() ({
      %run_scoped3A_94 = tpu.sem_alloc : memref<!tpu.dma_semaphore, #tpu.memory_space<semaphore_mem>>
      %dma_start3A_95 = arith.constant 0 : i32
      %dma_start3A_96 = tpu.memref_slice %arg6[%arg0, %mul3A_91, %dma_start3A_95] : memref<2x10240x64xf32, #tpu.memory_space<hbm>> -> memref<1x640x64xf32, #tpu.memory_space<hbm>>
      %dma_start3A_97 = tpu.memref_squeeze %dma_start3A_96 : memref<1x640x64xf32, #tpu.memory_space<hbm>> -> memref<640x64xf32, #tpu.memory_space<hbm>>
      %dma_start3A_98 = arith.constant 0 : i32
      %dma_start3A_99 = tpu.memref_slice %arg16[%mul3A_91, %dma_start3A_98] : memref<10240x64xf32, #tpu.memory_space<vmem_shared>> -> memref<640x64xf32, #tpu.memory_space<vmem_shared>>
      tpu.enqueue_dma source(%dma_start3A_99 : memref<640x64xf32, #tpu.memory_space<vmem_shared>>) target(%dma_start3A_97 : memref<640x64xf32, #tpu.memory_space<hbm>>) target_semaphore(%run_scoped3A_94 : memref<!tpu.dma_semaphore, #tpu.memory_space<semaphore_mem>>)
      %dma_wait3A_100 = arith.constant 0 : i32
      %dma_wait3A_101 = tpu.memref_slice %arg6[%arg0, %mul3A_91, %dma_wait3A_100] : memref<2x10240x64xf32, #tpu.memory_space<hbm>> -> memref<1x640x64xf32, #tpu.memory_space<hbm>>
      %dma_wait3A_102 = tpu.memref_squeeze %dma_wait3A_101 : memref<1x640x64xf32, #tpu.memory_space<hbm>> -> memref<640x64xf32, #tpu.memory_space<hbm>>
      %dma_wait3A_103 = arith.constant 0 : i32
      %dma_wait3A_104 = tpu.memref_slice %arg16[%mul3A_91, %dma_wait3A_103] : memref<10240x64xf32, #tpu.memory_space<vmem_shared>> -> memref<640x64xf32, #tpu.memory_space<vmem_shared>>
      tpu.wait_dma2 semaphore(%run_scoped3A_94 : memref<!tpu.dma_semaphore, #tpu.memory_space<semaphore_mem>>) src(%dma_wait3A_104 : memref<640x64xf32, #tpu.memory_space<vmem_shared>>) dst(%dma_wait3A_102 : memref<640x64xf32, #tpu.memory_space<hbm>>)
      tpu.yield
    }) : () -> ()
    %mul3A_92 = arith.constant 40 : i32
    %mul3A_93 = arith.muli %arg1, %mul3A_92 : i32
    "tpu.region"() ({
      %run_scoped3A_94 = tpu.sem_alloc : memref<!tpu.dma_semaphore, #tpu.memory_space<semaphore_mem>>
      %dma_start3A_95 = arith.constant 0 : i32
      %dma_start3A_96 = tpu.memref_slice %arg7[%arg0, %mul3A_93, %dma_start3A_95] : memref<2x640x16xf32, #tpu.memory_space<hbm>> -> memref<1x40x16xf32, #tpu.memory_space<hbm>>
      %dma_start3A_97 = tpu.memref_squeeze %dma_start3A_96 : memref<1x40x16xf32, #tpu.memory_space<hbm>> -> memref<40x16xf32, #tpu.memory_space<hbm>>
      %dma_start3A_98 = arith.constant 0 : i32
      %dma_start3A_99 = tpu.memref_slice %arg17[%mul3A_93, %dma_start3A_98] : memref<640x16xf32, #tpu.memory_space<vmem_shared>> -> memref<40x16xf32, #tpu.memory_space<vmem_shared>>
      tpu.enqueue_dma source(%dma_start3A_99 : memref<40x16xf32, #tpu.memory_space<vmem_shared>>) target(%dma_start3A_97 : memref<40x16xf32, #tpu.memory_space<hbm>>) target_semaphore(%run_scoped3A_94 : memref<!tpu.dma_semaphore, #tpu.memory_space<semaphore_mem>>)
      %dma_wait3A_100 = arith.constant 0 : i32
      %dma_wait3A_101 = tpu.memref_slice %arg7[%arg0, %mul3A_93, %dma_wait3A_100] : memref<2x640x16xf32, #tpu.memory_space<hbm>> -> memref<1x40x16xf32, #tpu.memory_space<hbm>>
      %dma_wait3A_102 = tpu.memref_squeeze %dma_wait3A_101 : memref<1x40x16xf32, #tpu.memory_space<hbm>> -> memref<40x16xf32, #tpu.memory_space<hbm>>
      %dma_wait3A_103 = arith.constant 0 : i32
      %dma_wait3A_104 = tpu.memref_slice %arg17[%mul3A_93, %dma_wait3A_103] : memref<640x16xf32, #tpu.memory_space<vmem_shared>> -> memref<40x16xf32, #tpu.memory_space<vmem_shared>>
      tpu.wait_dma2 semaphore(%run_scoped3A_94 : memref<!tpu.dma_semaphore, #tpu.memory_space<semaphore_mem>>) src(%dma_wait3A_104 : memref<40x16xf32, #tpu.memory_space<vmem_shared>>) dst(%dma_wait3A_102 : memref<40x16xf32, #tpu.memory_space<hbm>>)
      tpu.yield
    }) : () -> ()
    return
  }
}

module attributes {stable_mosaic.version = 14 : i64} {
  func.func @_tc_root(%arg0: i32, %arg1: memref<1000x128xf32, #tpu.memory_space<vmem>>, %arg2: memref<128x128xf32, #tpu.memory_space<vmem>>, %arg3: memref<1x128xf32, #tpu.memory_space<vmem>>, %arg4: memref<1000x128xf32, #tpu.memory_space<vmem>>) attributes {dimension_semantics = [#tpu.dimension_semantics<arbitrary>], iteration_bounds = array<i64: 10>, scalar_prefetch = 0 : i64, scratch_operands = 0 : i64, tpu.core_type = #tpu.core_type<tc>, window_params = [{transform_indices = @transform_0, window_bounds = array<i64: 1000, 128>}, {pipeline_mode = #tpu.pipeline_mode<synchronous>, transform_indices = @transform_1, window_bounds = array<i64: 128, 128>}, {pipeline_mode = #tpu.pipeline_mode<synchronous>, transform_indices = @transform_2, window_bounds = array<i64: 1, 128>}, {transform_indices = @transform_3, window_bounds = array<i64: 1000, 128>}]} {
    %get3A = arith.constant 0 : index
    %get3A_0 = arith.constant 0 : index
    %get3A_1 = vector.load %arg1[%get3A, %get3A_0] : memref<1000x128xf32, #tpu.memory_space<vmem>>, vector<1000x128xf32>
    %get3A_2 = arith.constant 0 : index
    %get3A_3 = arith.constant 0 : index
    %get3A_4 = vector.load %arg2[%get3A_2, %get3A_3] : memref<128x128xf32, #tpu.memory_space<vmem>>, vector<128x128xf32>
    %dot_general3A = arith.constant dense<0.000000e+00> : vector<1000x128xf32>
    %dot_general3A_5 = tpu.matmul %get3A_1, %get3A_4, %dot_general3A {dimension_numbers = #tpu.dot_dimension_numbers<[1], [0], [0], [1], [0, 0, 1, 1], [], []>, precision = #tpu.contract_precision<fp32>, transpose_lhs_hint = false} : vector<1000x128xf32>, vector<128x128xf32>, vector<1000x128xf32> -> vector<1000x128xf32>
    %get3A_6 = arith.constant 0 : index
    %get3A_7 = arith.constant 0 : index
    %get3A_8 = vector.load %arg3[%get3A_6, %get3A_7] : memref<1x128xf32, #tpu.memory_space<vmem>>, vector<1x128xf32>
    %add3A = vector.broadcast %get3A_8 : vector<1x128xf32> to vector<1000x128xf32>
    %add3A_9 = arith.addf %dot_general3A_5, %add3A : vector<1000x128xf32>
    %swap3A = arith.constant 0 : index
    %swap3A_10 = arith.constant 0 : index
    %swap3A_11 = vector.load %arg4[%swap3A, %swap3A_10] : memref<1000x128xf32, #tpu.memory_space<vmem>>, vector<1000x128xf32>
    tpu.vector_store %arg4[%swap3A, %swap3A_10], %add3A_9 {strides = array<i32>} : memref<1000x128xf32, #tpu.memory_space<vmem>>, vector<1000x128xf32>,
    return
  }
  func.func @transform_0(%arg0: i32) -> (i32, i32) {
    %c0_i32 = arith.constant 0 : i32
    %c0_i32_0 = arith.constant 0 : i32
    return %arg0, %c0_i32 : i32, i32
  }
  func.func @transform_1(%arg0: i32) -> (i32, i32) {
    %c0_i32 = arith.constant 0 : i32
    %c0_i32_0 = arith.constant 0 : i32
    %c0_i32_1 = arith.constant 0 : i32
    return %c0_i32, %c0_i32_0 : i32, i32
  }
  func.func @transform_2(%arg0: i32) -> (i32, i32) {
    %c0_i32 = arith.constant 0 : i32
    %c0_i32_0 = arith.constant 0 : i32
    %c0_i32_1 = arith.constant 0 : i32
    return %c0_i32, %c0_i32_0 : i32, i32
  }
  func.func @transform_3(%arg0: i32) -> (i32, i32) {
    %c0_i32 = arith.constant 0 : i32
    %c0_i32_0 = arith.constant 0 : i32
    return %arg0, %c0_i32 : i32, i32
  }
}

module attributes {stable_mosaic.version = 14 : i64} {
  func.func @_tc_tail(%arg0: i32, %arg1: memref<2x1000x64xf32, #tpu.memory_space<vmem>>, %arg2: memref<2x1000x1xf32, #tpu.memory_space<vmem>>, %arg3: memref<1000x128xf32, #tpu.memory_space<vmem>>, %arg4: memref<128x128xf32, #tpu.memory_space<vmem>>, %arg5: memref<1000x128xf32, #tpu.memory_space<vmem>>) attributes {dimension_semantics = [#tpu.dimension_semantics<arbitrary>], iteration_bounds = array<i64: 10>, scalar_prefetch = 0 : i64, scratch_operands = 0 : i64, tpu.core_type = #tpu.core_type<tc>, window_params = [{transform_indices = @transform_0, window_bounds = array<i64: 2, 1000, 64>}, {transform_indices = @transform_1, window_bounds = array<i64: 2, 1000, 1>}, {transform_indices = @transform_2, window_bounds = array<i64: 1000, 128>}, {pipeline_mode = #tpu.pipeline_mode<synchronous>, transform_indices = @transform_3, window_bounds = array<i64: 128, 128>}, {transform_indices = @transform_4, window_bounds = array<i64: 1000, 128>}]} {
    %get3A = arith.constant 0 : index
    %get3A_0 = arith.constant 0 : index
    %get3A_1 = arith.constant 0 : index
    %get3A_2 = vector.load %arg1[%get3A, %get3A_0, %get3A_1] : memref<2x1000x64xf32, #tpu.memory_space<vmem>>, vector<1x1000x64xf32>
    %get3A_3 = vector.shape_cast %get3A_2 : vector<1x1000x64xf32> to vector<1000x64xf32>
    %get3A_4 = arith.constant 1 : index
    %get3A_5 = arith.constant 0 : index
    %get3A_6 = arith.constant 0 : index
    %get3A_7 = vector.load %arg1[%get3A_4, %get3A_5, %get3A_6] : memref<2x1000x64xf32, #tpu.memory_space<vmem>>, vector<1x1000x64xf32>
    %get3A_8 = vector.shape_cast %get3A_7 : vector<1x1000x64xf32> to vector<1000x64xf32>
    %concatenate3A = tpu.concatenate %get3A_3, %get3A_8 in 1 : vector<1000x64xf32>, vector<1000x64xf32> -> vector<1000x128xf32>
    %get3A_9 = arith.constant 0 : index
    %get3A_10 = arith.constant 0 : index
    %get3A_11 = arith.constant 0 : index
    %get3A_12 = vector.load %arg2[%get3A_9, %get3A_10, %get3A_11] : memref<2x1000x1xf32, #tpu.memory_space<vmem>>, vector<1x1000x1xf32>
    %get3A_13 = vector.shape_cast %get3A_12 : vector<1x1000x1xf32> to vector<1000x1xf32>
    %get3A_14 = arith.constant 1 : index
    %get3A_15 = arith.constant 0 : index
    %get3A_16 = arith.constant 0 : index
    %get3A_17 = vector.load %arg2[%get3A_14, %get3A_15, %get3A_16] : memref<2x1000x1xf32, #tpu.memory_space<vmem>>, vector<1x1000x1xf32>
    %get3A_18 = vector.shape_cast %get3A_17 : vector<1x1000x1xf32> to vector<1000x1xf32>
    %add3A = arith.addf %get3A_13, %get3A_18 : vector<1000x1xf32>
    %mul3A = arith.constant 5.000000e-01 : f32
    %mul3A_19 = vector.broadcast %mul3A : f32 to vector<1000x1xf32>
    %mul3A_20 = arith.mulf %mul3A_19, %add3A : vector<1000x1xf32>
    %max3A = arith.constant 1.000000e+00 : f32
    %max3A_21 = vector.broadcast %max3A : f32 to vector<1000x1xf32>
    %max3A_22 = arith.maximumf %mul3A_20, %max3A_21 : vector<1000x1xf32>
    %div3A = vector.broadcast %max3A_22 : vector<1000x1xf32> to vector<1000x128xf32>
    %div3A_23 = arith.divf %concatenate3A, %div3A : vector<1000x128xf32>
    %get3A_24 = arith.constant 0 : index
    %get3A_25 = arith.constant 0 : index
    %get3A_26 = vector.load %arg4[%get3A_24, %get3A_25] : memref<128x128xf32, #tpu.memory_space<vmem>>, vector<128x128xf32>
    %dot_general3A = arith.constant dense<0.000000e+00> : vector<1000x128xf32>
    %dot_general3A_27 = tpu.matmul %div3A_23, %get3A_26, %dot_general3A {dimension_numbers = #tpu.dot_dimension_numbers<[1], [0], [0], [1], [0, 0, 1, 1], [], []>, precision = #tpu.contract_precision<fp32>, transpose_lhs_hint = false} : vector<1000x128xf32>, vector<128x128xf32>, vector<1000x128xf32> -> vector<1000x128xf32>
    %get3A_28 = arith.constant 0 : index
    %get3A_29 = arith.constant 0 : index
    %get3A_30 = vector.load %arg3[%get3A_28, %get3A_29] : memref<1000x128xf32, #tpu.memory_space<vmem>>, vector<1000x128xf32>
    %add3A_31 = arith.addf %dot_general3A_27, %get3A_30 : vector<1000x128xf32>
    %mul3A_32 = arith.mulf %add3A_31, %add3A_31 : vector<1000x128xf32>
    %reduce_sum3A = arith.constant dense<0.000000e+00> : vector<1000xf32>
    %reduce_sum3A_33 = vector.multi_reduction <add>, %mul3A_32, %reduce_sum3A [1] : vector<1000x128xf32> to vector<1000xf32>
    %broadcast_in_dim3A = vector.shape_cast %reduce_sum3A_33 : vector<1000xf32> to vector<1000x1xf32>
    %max3A_34 = arith.constant 1.000000e-24 : f32
    %max3A_35 = vector.broadcast %max3A_34 : f32 to vector<1000x1xf32>
    %max3A_36 = arith.maximumf %broadcast_in_dim3A, %max3A_35 : vector<1000x1xf32>
    %rsqrt3A = math.rsqrt %max3A_36 : vector<1000x1xf32>
    %mul3A_37 = vector.broadcast %rsqrt3A : vector<1000x1xf32> to vector<1000x128xf32>
    %mul3A_38 = arith.mulf %add3A_31, %mul3A_37 : vector<1000x128xf32>
    %swap3A = arith.constant 0 : index
    %swap3A_39 = arith.constant 0 : index
    %swap3A_40 = vector.load %arg5[%swap3A, %swap3A_39] : memref<1000x128xf32, #tpu.memory_space<vmem>>, vector<1000x128xf32>
    tpu.vector_store %arg5[%swap3A, %swap3A_39], %mul3A_38 {strides = array<i32>} : memref<1000x128xf32, #tpu.memory_space<vmem>>, vector<1000x128xf32>,
    return
  }
  func.func @transform_0(%arg0: i32) -> (i32, i32, i32) {
    %c0_i32 = arith.constant 0 : i32
    %c0_i32_0 = arith.constant 0 : i32
    %c0_i32_1 = arith.constant 0 : i32
    return %c0_i32, %arg0, %c0_i32_0 : i32, i32, i32
  }
  func.func @transform_1(%arg0: i32) -> (i32, i32, i32) {
    %c0_i32 = arith.constant 0 : i32
    %c0_i32_0 = arith.constant 0 : i32
    %c0_i32_1 = arith.constant 0 : i32
    return %c0_i32, %arg0, %c0_i32_0 : i32, i32, i32
  }
  func.func @transform_2(%arg0: i32) -> (i32, i32) {
    %c0_i32 = arith.constant 0 : i32
    %c0_i32_0 = arith.constant 0 : i32
    return %arg0, %c0_i32 : i32, i32
  }
  func.func @transform_3(%arg0: i32) -> (i32, i32) {
    %c0_i32 = arith.constant 0 : i32
    %c0_i32_0 = arith.constant 0 : i32
    %c0_i32_1 = arith.constant 0 : i32
    return %c0_i32, %c0_i32_0 : i32, i32
  }
  func.func @transform_4(%arg0: i32) -> (i32, i32) {
    %c0_i32 = arith.constant 0 : i32
    %c0_i32_0 = arith.constant 0 : i32
    return %arg0, %c0_i32 : i32, i32
  }
}

</mosaic_0001>

<sc_bundles>
// kernel: kernel.5.cloned.1.call-start
scs
__scs_entry_jumppad:
0x0: {  	(pc) =	sbr.rel $0x88, $3  }
0x1: {  	(tag) =	ssettag $0x0;
	lr =	simm.s32 $0x1  }
0x2: {  	[smem:$0x3F9C] =	sst lr;
	_ =	strace $0xD0000000  }
0x3: {  	_ = 	snop  }
0x4: {  	_ = 	snop  }
0x5: {  	_ = 	snop  }
0x6: {  	_ = 	snop  }
0x7: {  	_ = 	snop  }
__scs_overlays_trampoline_lowered:
0x8: {  	[smem:$0x3FAB] =	sst s0  }
0x9: {  	[smem:$0x3FAC] =	sst s1  }
0xa: {  	[smem:$0x3FAD] =	sst s2  }
0xb: {  	[smem:$0x3FAE] =	sst s3  }
0xc: {  	[smem:$0x3FAF] =	sst s4  }
0xd: {  	[smem:$0x3FB0] =	sst s5  }
0xe: {  	[smem:$0x3FB1] =	sst s6  }
0xf: {  	[smem:$0x3FB2] =	sst s7  }
0x10: {  	[smem:$0x3FB3] =	sst s8  }
0x11: {  	[smem:$0x3FB4] =	sst s9;
	s0 =	simm.s32 @!p0 $0x0  }
0x12: {  	s1 =	sld [smem:$0x3F9A];
	s0 =	simm.s32 @p0 $0x1  }
0x13: {  	[smem:$0x3FB5] =	sst s0;
	s0 =	simm.s32 @!p1 $0x0  }
0x14: {  	s2 =	sld [smem:$0x3F99];
	s0 =	simm.s32 @p1 $0x1  }
0x15: {  	[smem:$0x3FB6] =	sst s0;
	s0 =	simm.s32 @!p2 $0x0  }
0x16: {  	s3 =	sld [smem:$0x3FDB];
	s0 =	simm.s32 @p2 $0x1  }
0x17: {  	s4 =	simm.s32 $0x1BF5;
	[smem:$0x3FB8] =	sst s0  }
0x18: {  	s0 =	sld [smem:$0x3F9B];
	_ =	swait.ge [sflag:s4], $0x0  }
0x19: {  	s7 =	sld [smem:$0x3F9C]  }
0x1a: {  	s8 =	sadd.s32 $0xFFFFE003, lr  }
0x1b: {  	s9 =	sadd.s32 $0xFFFFFEF7, lr;
	s5 =	simm.s32 $0xFFFFFFFF;
	p2 =	slt.u32 s8, $0xFFFFF086  }
0x1c: {  	p1 =	slt.u32 s9, $0xF7A;
	s5 =	simm.s32 @!p2 $0x0  }
0x1d: {  	s5 =	simm.s32 @p1 $0x1;
	p0 =	seq.s32 s7, s2  }
0x1e: {  	s7 =	smul.u32 @!p0 $0xF7A, s2;
	p2 =	seq.s32 @!p0 s5, $0x0  }
0x1f: {  	s9 =	smul.u32 $0xF7A, s1;
	s8 =	simm.s32 @!p0 $0x1BF5;
	p2 =	por !p2, p0  }
0x20: {  	[sflag:s8] =	ssyncset.s32 @!p0 $0xFFFFF086;
	s6 =	sadd.s32 @!p0 s3, s7;
	s7 =	simm.s32 @!p0 $0x108  }
0x21: {  	s3 =	sadd.s32 s3, s9;
	s6 =	sadd.s32 @!p0 $0x88, s6;
	s7 =	simm.s32 @p2 $0x1082  }
0x22: {  	[simem:s7], [sflag:s8] =	dma.local @!p0 [hbm:s6], $0xF7A  }
0x23: {  	s9 =	sor.u32 $0xD0000000, s2;
	s6 =	simm.s32 $0x108;
	_ =	swait.ge @!p0 [sflag:s8], $0x0  }
0x24: {  	s3 =	sadd.s32 $0x88, s3;
	s6 =	simm.s32 @!p1 $0x1082;
	[sflag:s4] =	ssyncset.s32 $0xFFFFF086  }
0x25: {  	[simem:s6], [sflag:s4] =	dma.local [hbm:s3], $0xF7A  }
0x26: {  	[smem:$0x3F9C] =	sst s1;
	(tag) =	ssettag s2;
	_ =	strace s9  }
0x27: {  	s1 =	sld [smem:$0x3FAC]  }
0x28: {  	s2 =	sld [smem:$0x3FAD]  }
0x29: {  	s4 =	sld [smem:$0x3FAF]  }
0x2a: {  	p0 =	seq.s32 s5, $0x0;
	s5 =	sld [smem:$0x3FB0]  }
0x2b: {  	s6 =	sld [smem:$0x3FB1]  }
0x2c: {  	s7 =	sld [smem:$0x3FB2]  }
0x2d: {  	s3 =	simm.s32 $0x108;
	s8 =	sld [smem:$0x3FB3]  }
0x2e: {  	s3 =	simm.s32 @!p0 $0x1082;
	s9 =	sld [smem:$0x3FB4]  }
0x2f: {  	lr =	sadd.s32 s0, s3;
	s0 =	sld [smem:$0x3FAB]  }
0x30: {  	s3 =	sld [smem:$0x3FAE]  }
0x31: {  	[smem:$0x3FB7] =	sst s10  }
0x32: {  	s10 =	sld [smem:$0x3FB5];
	_ =	sdelay $0x3  }
0x33: {  	p0 =	seq.s32 s10, $0x1;
	s10 =	sld [smem:$0x3FB7];
	_ =	sdelay $0x3  }
0x34: {  	[smem:$0x3FB7] =	sst s10  }
0x35: {  	s10 =	sld [smem:$0x3FB6];
	_ =	sdelay $0x3  }
0x36: {  	p1 =	seq.s32 s10, $0x1;
	s10 =	sld [smem:$0x3FB7];
	_ =	sdelay $0x3  }
0x37: {  	[smem:$0x3FB7] =	sst s10  }
0x38: {  	s10 =	sld [smem:$0x3FB8]  }
0x39: {  	_ = 	snop;
	(pc) =	sbr.ind lr, $3  }
0x3a: {  	_ = 	snop  }
0x3b: {  	_ = 	snop  }
0x3c: {  	p2 =	seq.s32 s10, $0x1;
	s10 =	sld [smem:$0x3FB7]  }
0x3d: {  	_ =	shalt  }
0x3e: {  	_ =	shalt  }
0x3f: {  	_ =	shalt  }
0x40: {  	_ =	shalt  }
0x41: {  	_ =	shalt  }
0x42: {  	_ =	shalt  }
0x43: {  	_ =	shalt  }
0x44: {  	_ =	shalt  }
0x45: {  	_ =	shalt  }
0x46: {  	_ =	shalt  }
0x47: {  	_ =	shalt  }
0x48: {  	_ =	shalt  }
0x49: {  	_ =	shalt  }
0x4a: {  	_ =	shalt  }
0x4b: {  	_ =	shalt  }
0x4c: {  	_ =	shalt  }
0x4d: {  	_ =	shalt  }
0x4e: {  	_ =	shalt  }
0x4f: {  	_ =	shalt  }
0x50: {  	_ =	shalt  }
0x51: {  	_ =	shalt  }
0x52: {  	_ =	shalt  }
0x53: {  	_ =	shalt  }
0x54: {  	_ =	shalt  }
0x55: {  	_ =	shalt  }
0x56: {  	_ =	shalt  }
0x57: {  	_ =	shalt  }
0x58: {  	_ =	shalt  }
0x59: {  	_ =	shalt  }
0x5a: {  	_ =	shalt  }
0x5b: {  	_ =	shalt  }
0x5c: {  	_ =	shalt  }
0x5d: {  	_ =	shalt  }
0x5e: {  	_ =	shalt  }
0x5f: {  	_ =	shalt  }
0x60: {  	_ =	shalt  }
0x61: {  	_ =	shalt  }
0x62: {  	_ =	shalt  }
0x63: {  	_ =	shalt  }
0x64: {  	_ =	shalt  }
0x65: {  	_ =	shalt  }
0x66: {  	_ =	shalt  }
0x67: {  	_ =	shalt  }
0x68: {  	_ =	shalt  }
0x69: {  	_ =	shalt  }
0x6a: {  	_ =	shalt  }
0x6b: {  	_ =	shalt  }
0x6c: {  	_ =	shalt  }
0x6d: {  	_ =	shalt  }
0x6e: {  	_ =	shalt  }
0x6f: {  	_ =	shalt  }
0x70: {  	_ =	shalt  }
0x71: {  	_ =	shalt  }
0x72: {  	_ =	shalt  }
0x73: {  	_ =	shalt  }
0x74: {  	_ =	shalt  }
0x75: {  	_ =	shalt  }
0x76: {  	_ =	shalt  }
0x77: {  	_ =	shalt  }
0x78: {  	_ =	shalt  }
0x79: {  	_ =	shalt  }
0x7a: {  	_ =	shalt  }
0x7b: {  	_ =	shalt  }
0x7c: {  	_ =	shalt  }
0x7d: {  	_ =	shalt  }
0x7e: {  	_ =	shalt  }
0x7f: {  	_ =	shalt  }
0x80: {  	_ =	shalt  }
0x81: {  	_ =	shalt  }
0x82: {  	_ =	shalt  }
0x83: {  	_ =	shalt  }
0x84: {  	_ =	shalt  }
0x85: {  	_ =	shalt  }
0x86: {  	_ =	shalt  }
0x87: {  	_ =	shalt  }
.Lfunc_end0:
.L_simem_size_0:
called_computation_lowered:
.L_overlay_start_0:
0x88: {  	s2 =	sld [smem:$0x3FD9]  }
0x89: {  	s3 =	sld [smem:$0x3FFE];
	_ =	sdelay $0x1  }
0x8a: {  	s1 =	srdreg.scid  }
0x8b: {  	s0 =	sand.u32 $0x1, s1  }
0x8c: {  	s17 =	sshll.u32 s0, $0xA;
	s2 =	sadd.s32 s3, s2  }
0x8d: {  	s2 =	sadd.s32 s2, s17  }
0x8e: {  	[smem:$0x3FC3] =	sst s2  }
0x8f: {  	_ = 	snop  }
0x90: {  	s2 =	sld [smem:$0x3FC9]  }
0x91: {  	s18 =	sld [smem:$0x3FD0];
	(tm) =	ssettm $0x1  }
0x92: {  	s4 =	sld [smem:$0x3FFB];
	_ =	sdelay $0x3  }
0x93: {  	_ =	strace s4  }
0x94: {  	s4 =	sld [smem:$0x3FFC];
	_ =	sdelay $0x3  }
0x95: {  	_ =	strace s4  }
0x96: {  	s4 =	sld [smem:$0x3FFD];
	_ =	sdelay $0x3  }
0x97: {  	_ =	strace s4  }
0x98: {  	_ =	strace $0x8FFFFFFF  }
0x99: {  	s19 =	sld [smem:$0x3FDB];
	_ =	sdelay $0x1  }
0x9a: {  	s5 =	simm.s32 $_scs_section_size  }
0x9b: {  	s6 =	simm.s32 $_size__tile_overlayer_lowered;
	s7 =	simm.s32 $_tile_overlayer_lowered  }
0x9c: {  	s22 =	simm.s32 $0x1BFF;
	s21 =	sshll.u32 s7, $0x1;
	s4 =	sadd.s32 s5, s19  }
0x9d: {  	s8 =	simm.s32 $0x0;
	s20 =	sshll.u32 s6, $0x1;
	s6 =	sadd.s32 s21, s4  }
0x9e: {  	[timem:s8], [sflag:s22] =	dma.local [hbm:s6], s20  }
0x9f: {  	_ =	swait.ge [sflag:s22], s20  }
0xa0: {  	s5 =	ssub.s32 $0x0, s20;
	[sflag:s22] =	ssyncset.done $0x0  }
0xa1: {  	[sflag:s22] =	ssyncadd.s32 s5;
	_ =	sdelay $0x1  }
0xa2: {  	s23 =	simm.s32 $0x1B8B  }
0xa3: {  	_ =	swait.ge [sflag:s23], $0x1  }
0xa4: {  	[sflag:s23] =	ssyncset.done $0x0  }
0xa5: {  	s25 =	simm.s32 $0x1B8E;
	s24 =	sld [smem:$0x3FFE];
	[sflag:s23] =	ssyncadd.s32 $0xFFFFFFFF  }
0xa6: {  	s26 =	simm.s32 $execute0_lowered;
	[smem:$0x3FD2] =	sst s25  }
0xa7: {  	s6 =	sshll.u32 s26, $0x1;
	_ =	strace $0x80000046;
	[dreg:$0x1] =	wrdreg $0xFFFFFFFF  }
0xa8: {  	s28 =	simm.s32 $_size_execute0_lowered;
	s4 =	sadd.s32 s4, s6;
	[dreg:$0x0] =	wrdreg $0x0  }
0xa9: {  	s6 =	sshll.u32 s28, $0x1;
	[dreg:$0x2] =	wrdreg s4  }
0xaa: {  	[dreg:$0x3] =	wrdreg s6  }
0xab: {  	[dreg:$0x4] =	wrdreg $0xC0  }
0xac: {  	_ =	task [dreg:s8], $0x5FFFF  }
0xad: {  	[dreg:$0x1] =	wrdreg $0xFFFFFFFF  }
0xae: {  	[dreg:$0x0] =	wrdreg $0x60  }
0xaf: {  	[dreg:$0x2] =	wrdreg s2  }
0xb0: {  	[dreg:$0x3] =	wrdreg s18  }
0xb1: {  	[dreg:$0x4] =	wrdreg s24  }
0xb2: {  	[dreg:$0x5] =	wrdreg $0xBE800  }
0xb3: {  	[dreg:$0x6] =	wrdreg $0x15AC00  }
0xb4: {  	[dreg:$0x7] =	wrdreg $0x1FAC00  }
0xb5: {  	[dreg:$0x8] =	wrdreg $0x9  }
0xb6: {  	_ =	task.clear_ibuf [dreg:s8], $0x9FFFF;
	_ =	strace $0x90000046  }
0xb7: {  	s29 =	simm.s32 $0x9;
	_ =	strace $0x80000048  }
0xb8: {  	_ =	swait.ge [sflag:s29], $0x1  }
0xb9: {  	[sflag:s29] =	ssyncadd.s32 $0xFFFFFFFF  }
0xba: {  	_ =	strace $0x90000048  }
0xbb: {  	_ =	sfence  }
0xbc: {  	s30 =	sld [smem:$0x0];
	_ =	sdelay $0x2  }
0xbd: {  	s31 =	sshll.u32 s1, $0xD;
	s1 =	sshrl.u32 s1, $0x2  }
0xbe: {  	s3 =	sand.u32 $0x4000, s31;
	s1 =	sadd.s32 s1, s30  }
0xbf: {  	s0 =	sor.u32 s3, s0;
	s1 =	sshll.u32 s1, $0x11  }
0xc0: {  	s0 =	sor.u32 s1, s0  }
0xc1: {  	s0 =	sadd.s32 $0x8F2B, s0  }
0xc2: {  	[sflag:s0] =	ssyncadd.remote.s32 $0x1  }
0xc3: {  	_ =	sfence.sel $0xFFFF  }
0xc4: {  	[dreg:$0x0] =	wrdreg $0xFFFFFFFF;
	(pc) =	sbr.abs _section_cstart, $3  }
0xc5: {  	[dreg:$0x1] =	wrdreg $0xFFFFFFFF  }
0xc6: {  	_ =	task.clear_ibuf [dreg:s8], $0x2FFFF;
	_ =	strace $0x9FFFFFFF  }
0xc7: {  	(tm) =	ssettm $0x7FFFFFFF  }
tec
execute0_lowered:
.L_overlay_start_1:
0x0: {  	(tag) =	ssettag $0x1  }
0x1: {  	s0 =	rddreg [dreg:$0x0]  }
0x2: {  	s3 =	rddreg [dreg:$0x1]  }
0x3: {  	s5 =	rddreg [dreg:$0x2]  }
0x4: {  	s1 =	rddreg [dreg:$0x3];
	s18 =	stileid.u32  }
0x5: {  	s2 =	rddreg [dreg:$0x4];
	s6 =	smul.u32 $0x5000, s18  }
0x6: {  	s7 =	srdreg.scid;
	s8 =	smul.u32 $0xA000, s18  }
0x7: {  	s4 =	rddreg [dreg:$0x5];
	s10 =	simm.s32 $0x0;
	s23 =	smul.u32 $0x280, s18  }
0x8: {  	s28 =	simm.s32 $0x5000;
	s29 =	simm.s32 $0x7;
	s15 =	smul.u32 $0x13880, s18  }
0x9: {  	s30 =	simm.s32 $0x5200;
	s31 =	simm.s32 $0x80;
	s17 =	smul.u32 $0x27100, s18  }
0xa: {  	s7 =	sand.u32 $0x1, s7;
	[smem:$0x7FF] =	sst s10;
	s20 =	smul.u32 $0xA00, s18  }
0xb: {  	s26 =	sadd.s32 $0xB000, s5;
	s10 =	simm.s32 $0x5180;
	s9 =	smul.u32 $0xA0000, s7  }
0xc: {  	s25 =	smul.u32 $0x2800, s7;
	_ =	strace $0x80000047;
	[dreg:$0x7] =	wrdreg s26  }
0xd: {  	s14 =	ssub.s32 $0x2, s7;
	s7 =	sshll.u32 s7, $0x6;
	s11 =	sshrl.u32 s6, $0x3  }
0xe: {  	s16 =	sshrl.u32 s14, $0x1;
	s7 =	sor.u32 s7, s15;
	s21 =	sadd.s32 s8, s2  }
0xf: {  	s22 =	sadd.s32 s23, s4;
	s24 =	sadd.s32 s8, s9;
	s12 =	sadd.s32 s11, s5  }
0x10: {  	s9 =	sadd.s32 s23, s25;
	s14 =	ssub.s32 s14, s16;
	s7 =	sshrl.u32 s7, $0x3  }
0x11: {  	s19 =	sadd.s32 s3, s11;
	[dreg:$0xc] =	wrdreg s22;
	s4 =	sshrl.u32 s21, $0x3  }
0x12: {  	s21 =	simm.s32 $0x7400;
	s8 =	simm.s32 $0x4;
	s13 =	sshrl.u32 s24, $0x3  }
0x13: {  	s9 =	sshrl.u32 s9, $0x3;
	s0 =	sadd.s32 s0, s7;
	[dreg:$0xb] =	wrdreg s19  }
0x14: {  	s6 =	sadd.s32 $0x40, s19;
	s24 =	smax.u32 s14, $0x1;
	s19 =	simm.s32 $0x1  }
0x15: {  	s7 =	simm.s32 $0x5100;
	s14 =	simm.s32 $0x5300;
	s13 =	sadd.s32 s13, s5  }
0x16: {  	s5 =	sadd.s32 s9, s5;
	s9 =	sadd.s32 $0x1000, s12;
	[dreg:$0x9] =	wrdreg s0  }
0x17: {  	s12 =	sshrl.u32 s17, $0x2;
	s17 =	sshll.u32 s18, $0x6;
	[dreg:$0xd] =	wrdreg s6  }
0x18: {  	s0 =	sadd.s32 s20, s3;
	[dreg:$0x10] =	wrdreg s24;
	s24 =	simm.s32 $0x2  }
0x19: {  	s3 =	simm.s32 $0x5400;
	[dreg:$0x8] =	wrdreg s9;
	s16 =	sor.u32 $0x1C01, s17  }
0x1a: {  	s20 =	simm.s32 $0x0;
	s23 =	sadd.s32 $0xC400, s13;
	[dreg:$0xa] =	wrdreg s16  }
0x1b: {  	s15 =	sadd.s32 s12, s1;
	s5 =	sadd.s32 $0x34400, s5;
	[dreg:$0xe] =	wrdreg s23  }
.Ltmp0:
0x1c: {  	s0 =	sadd.s32 $0xC0, s0;
	[dreg:$0xf] =	wrdreg s5;
	(pc) =	sbr.rel .LBB2_1-.Ltmp0, $4  }
0x1d: {  	s26 =	sor.u32 $0x1C03, s17;
	s12 =	simm.s32 $0x6;
	[dreg:$0x11] =	wrdreg s0  }
0x1e: {  	s13 =	simm.s32 $0x5280;
	s25 =	sshrl.u32 s15, $0x3;
	[dreg:$0x13] =	wrdreg s26  }
0x1f: {  	s26 =	simm.s32 $0x3;
	s0 =	simm.s32 $0x9400;
	s5 =	simm.s32 $0x5080  }
0x20: {  	v0 =	vimm.f32 $0.0e+00;
	v1 =	vlaneseq.u32;
	v2 =	vimm.f32 $1.000000000e+00;
	s15 =	simm.s32 $0x5380;
	[dreg:$0x12] =	wrdreg s25;
	s25 =	simm.s32 $0x5  }
.LBB2_8:
0x21: {  	_ =	swait.ge [sflag:s8], $0x2000  }
0x22: {  	[sflag:s8] =	ssyncset.done $0x0  }
0x23: {  	[sflag:s8] =	ssyncadd.s32 $0xFFFFE000  }
0x24: {  	s9 =	simm.s32 $0xBC00;
	s6 =	rddreg [dreg:$0x5]  }
0x25: {  	[spmem:s6] =	stream.indirect.scatter.add.f32 [tilespmem:s0], [sflag:$0x7], $0x10, s9, s31, $0xb8;
	[tilespmem:$0x1FD40] =	vst v63  }
0x26: {  	_ =	swait.ge [sflag:s29], $0x800  }
0x27: {  	[sflag:s29] =	ssyncset.done $0x0  }
0x28: {  	s17 =	simm.s32 $0xBC80;
	s11 =	simm.s32 $0x9C00;
	[sflag:s29] =	ssyncadd.s32 $0xFFFFF800  }
0x29: {  	[spmem:s6] =	stream.indirect.scatter.add.f32 [tilespmem:s11], [sflag:$0x7], $0x10, s17, s31, $0xb8;
	[tilespmem:$0x1FD40] =	vst v63  }
0x2a: {  	_ =	swait.ge [sflag:s29], $0x800  }
0x2b: {  	[sflag:s29] =	ssyncset.done $0x0  }
0x2c: {  	s18 =	simm.s32 $0xBD00;
	s22 =	simm.s32 $0xA400;
	[sflag:s29] =	ssyncadd.s32 $0xFFFFF800  }
0x2d: {  	[spmem:s6] =	stream.indirect.scatter.add.f32 [tilespmem:s22], [sflag:$0x7], $0x10, s18, s31, $0xb8;
	[tilespmem:$0x1FD40] =	vst v63  }
0x2e: {  	_ =	swait.ge [sflag:s29], $0x800  }
0x2f: {  	[sflag:s29] =	ssyncset.done $0x0  }
0x30: {  	s11 =	simm.s32 $0xBD80;
	s17 =	simm.s32 $0xAC00;
	[sflag:s29] =	ssyncadd.s32 $0xFFFFF800  }
0x31: {  	[spmem:s6] =	stream.indirect.scatter.add.f32 [tilespmem:s17], [sflag:$0x7], $0x10, s11, s31, $0xb8;
	[tilespmem:$0x1FD40] =	vst v63  }
0x32: {  	_ =	swait.ge [sflag:s29], $0x800  }
0x33: {  	[sflag:s29] =	ssyncset.done $0x0  }
0x34: {  	s18 =	simm.s32 $0xBE00;
	s22 =	simm.s32 $0xB400;
	[sflag:s29] =	ssyncadd.s32 $0xFFFFF800  }
0x35: {  	[spmem:s6] =	stream.indirect.scatter.add.f32 [tilespmem:s22], [sflag:$0x7], $0x10, s18, s31, $0xb8;
	[tilespmem:$0x1FD40] =	vst v63  }
0x36: {  	_ =	swait.ge [sflag:s29], $0x800  }
0x37: {  	[sflag:s29] =	ssyncset.done $0x0  }
0x38: {  	[sflag:s29] =	ssyncadd.s32 $0xFFFFF800  }
0x39: {  	[bflag:$0x0] =	sbarrier.arrive $0xFFFF  }
0x3a: {  	s11 =	sor.u32 $0x1C07, s23;
	s18 =	rddreg [dreg:$0xe]  }
0x3b: {  	[hbm:s18], [sflag:s11] =	dma.local [spmem:s4], $0x1400  }
0x3c: {  	_ =	swait.ge [sflag:s29], $0x1400  }
0x3d: {  	[sflag:s29] =	ssyncset.done $0x0  }
0x3e: {  	s22 =	rddreg [dreg:$0xf];
	[sflag:s29] =	ssyncadd.s32 $0xFFFFEC00  }
0x3f: {  	[hbm:s22], [sflag:s11] =	dma.local [spmem:s16], $0x50  }
0x40: {  	_ =	swait.ge [sflag:s29], $0x50  }
0x41: {  	s20 =	sadd.s32 $0x1, s20;
	s17 =	smov.u32 s23;
	s23 =	rddreg [dreg:$0x10]  }
0x42: {  	p0 =	sne.s32 s20, s23  }
.Ltmp1:
0x43: {  	_ = 	snop;
	(pc) =	sbr.rel @!p0 .LBB2_9-.Ltmp1, $3  }
0x44: {  	_ =	sdelay $0x1  }
0x45: {  	[sflag:s29] =	ssyncset.done $0x0  }
0x46: {  	[sflag:s29] =	ssyncadd.s32 $0xFFFFFFB0  }
.LBB2_1:
0x47: {  	s9 =	rddreg [dreg:$0x8]  }
0x48: {  	s22 =	rddreg [dreg:$0x9]  }
0x49: {  	s6 =	simm.s32 $0x0;
	s23 =	rddreg [dreg:$0xa]  }
0x4a: {  	s11 =	rddreg [dreg:$0x12];
	s18 =	simm.s32 $0x8;
	s16 =	simm.s32 $0x10  }
0x4b: {  	[tilespmem:s6], [sflag:$0x5] =	stream.linear.gather [hbm4b:s9+s6], $0x5000, $0x38;
	[tilespmem:$0x1FD40] =	vst v63  }
0x4c: {  	[spmem:s11@s18], [sflag:s23] =	dma.strided [hbm:s22@s16], $0x1388, s19, $0x8   }
0x4d: {  	s6 =	rddreg [dreg:$0x7]  }
0x4e: {  	s9 =	rddreg [dreg:$0x13]  }
0x4f: {  	[spmem:s4], [sflag:s9] =	dma.local [hbm:s6], $0x1400  }
0x50: {  	s23 =	smov.u32 s17;
	s9 =	rddreg [dreg:$0xc]  }
0x51: {  	s22 =	sor.u32 $0x1C02, s17;
	s11 =	simm.s32 $0x0;
	s16 =	sshrl.u32 s9, $0x3  }
0x52: {  	[spmem:s16@s24], [sflag:s22] =	dma.strided [hbm:s6@s18], $0x50, s19, $0x2   }
.LBB2_2:
0x53: {  	p0 =	sne.s32 s11, $0x9FC0  }
.Ltmp2:
0x54: {  	_ = 	snop;
	(pc) =	sbr.rel @p0 .LBB2_2-.Ltmp2, $3  }
0x55: {  	_ =	sdelay $0x1  }
0x56: {  	s17 =	sshra.s32 s11, $0x2  }
0x57: {  	s11 =	sadd.s32 $0x40, s11;
	[tilespmem:s17+$0x9400] =	vst v0  }
0x58: {  	s17 =	simm.s32 $0x0  }
0x59: {  	s11 =	simm.s32 $0x10;
	v3 =	vor.u32 s17, v1;
	s17 =	sand.u32 $0x3F0, s17  }
.LBB2_4:
0x5a: {  	p0 =	sne.s32 s11, $0x270;
	[tilespmem:s17+$0xBC00] =	vst v3;
	s17 =	smov.u32 s11;
	s11 =	sadd.s32 $0x10, s11  }
.Ltmp3:
0x5b: {  	(pc) =	sbr.rel @p0 .LBB2_4-.Ltmp3, $2  }
0x5c: {  	_ =	sdelay $0x2  }
0x5d: {  	v3 =	vor.u32 s17, v1;
	s17 =	sand.u32 $0x3F0, s17  }
0x5e: {  	[tilespmem:s17+$0xBC00] =	vst v3  }
0x5f: {  	_ =	swait.ge [sflag:s25], $0x5000  }
0x60: {  	[sflag:s25] =	ssyncset.done $0x0  }
0x61: {  	[sflag:s25] =	ssyncadd.s32 $0xFFFFB000  }
0x62: {  	_ =	swait.ge [sflag:s24], $0x50  }
0x63: {  	[sflag:s24] =	ssyncset.done $0x0  }
0x64: {  	[sflag:s24] =	ssyncadd.s32 $0xFFFFFFB0  }
0x65: {  	_ =	swait.ge [sflag:s19], $0x1388  }
0x66: {  	[sflag:s19] =	ssyncset.done $0x0  }
0x67: {  	[sflag:s19] =	ssyncadd.s32 $0xFFFFEC78  }
0x68: {  	_ =	swait.ge [sflag:s26], $0x1400  }
0x69: {  	[sflag:s26] =	ssyncset.done $0x0  }
0x6a: {  	[sflag:s26] =	ssyncadd.s32 $0xFFFFEC00  }
0x6b: {  	[bflag:$0x0] =	sbarrier.arrive $0xFFFF  }
0x6c: {  	s18 =	simm.s32 $0x0;
	s6 =	rddreg [dreg:$0xb]  }
0x6d: {  	[tilespmem:s28], [sflag:$0x7] =	stream.linear.gather [hbm4b:s6+s18], $0x200, $0x38;
	[tilespmem:$0x1FD40] =	vst v63  }
0x6e: {  	_ =	swait.ge [sflag:s29], $0x200  }
0x6f: {  	[sflag:s29] =	ssyncset.done $0x0  }
0x70: {  	s22 =	rddreg [dreg:$0xd];
	[sflag:s29] =	ssyncadd.s32 $0xFFFFFE00  }
0x71: {  	[tilespmem:s30], [sflag:$0x6] =	stream.linear.gather [hbm4b:s22+s18], $0x200, $0x38;
	[tilespmem:$0x1FD40] =	vst v63  }
0x72: {  	s17 =	rddreg [dreg:$0x11]  }
0x73: {  	[tilespmem:s3], [sflag:$0x1] =	stream.indirect.gather [spmem:s1], $0x40, s28, s31, $0xb8;
	[tilespmem:$0x1FD40] =	vst v63  }
.LBB2_6:
0x74: {  	_ =	swait.ge [sflag:s19], $0x2000  }
0x75: {  	[sflag:s19] =	ssyncset.done $0x0  }
0x76: {  	s11 =	sshra.s32 s18, $0x2;
	[sflag:s19] =	ssyncadd.s32 $0xFFFFE000  }
0x77: {  	[spmem:s2] =	stream.indirect.scatter.add.f32 [tilespmem:s3], [sflag:$0x3], $0x40, s11, s31, $0xb8;
	[tilespmem:$0x1FD40] =	vst v63  }
0x78: {  	v3 =	vld [tilespmem:s11+$0x0];
	_ =	sdelay $0x7  }
0x79: {  	[tilespmem:v3+s0+$0x0] =	vst.idx.add.f32.msk $0xffff, v2  }
0x7a: {  	v3 =	vld [tilespmem:s11+$0x10];
	_ =	sdelay $0x7  }
0x7b: {  	[tilespmem:v3+s0+$0x0] =	vst.idx.add.f32.msk $0xffff, v2  }
0x7c: {  	v3 =	vld [tilespmem:s11+$0x20];
	_ =	sdelay $0x7  }
0x7d: {  	[tilespmem:v3+s0+$0x0] =	vst.idx.add.f32.msk $0xffff, v2  }
0x7e: {  	v3 =	vld [tilespmem:s11+$0x30];
	_ =	sdelay $0x7  }
0x7f: {  	[tilespmem:v3+s0+$0x0] =	vst.idx.add.f32.msk $0xffff, v2  }
0x80: {  	v3 =	vld [tilespmem:s11+$0x40];
	_ =	sdelay $0x7  }
0x81: {  	[tilespmem:v3+s0+$0x0] =	vst.idx.add.f32.msk $0xffff, v2  }
0x82: {  	v3 =	vld [tilespmem:s11+$0x50];
	_ =	sdelay $0x7  }
0x83: {  	[tilespmem:v3+s0+$0x0] =	vst.idx.add.f32.msk $0xffff, v2  }
0x84: {  	v3 =	vld [tilespmem:s11+$0x60];
	_ =	sdelay $0x7  }
0x85: {  	[tilespmem:v3+s0+$0x0] =	vst.idx.add.f32.msk $0xffff, v2  }
0x86: {  	v3 =	vld [tilespmem:s11+$0x70];
	_ =	sdelay $0x6  }
0x87: {  	p0 =	seq.s32 s18, $0x0  }
0x88: {  	s22 =	simm.s32 @!p0 $0x4;
	[tilespmem:v3+s0+$0x0] =	vst.idx.add.f32.msk $0xffff, v2  }
0x89: {  	_ =	swait.ge @!p0 [sflag:s22], $0x2000  }
0x8a: {  	[sflag:s22] =	ssyncset.done @!p0 $0x0  }
0x8b: {  	[sflag:s22] =	ssyncadd.s32 @!p0 $0xFFFFE000  }
0x8c: {  	[tilespmem:s21], [sflag:$0x2] =	stream.indirect.gather [spmem:s1], $0x40, s5, s31, $0xb8;
	[tilespmem:$0x1FD40] =	vst v63  }
0x8d: {  	_ =	swait.ge [sflag:s24], $0x2000  }
0x8e: {  	[sflag:s24] =	ssyncset.done $0x0  }
0x8f: {  	s9 =	sadd.s32 $0x80, s11;
	[sflag:s24] =	ssyncadd.s32 $0xFFFFE000  }
0x90: {  	[spmem:s2] =	stream.indirect.scatter.add.f32 [tilespmem:s21], [sflag:$0x4], $0x40, s9, s31, $0xb8;
	[tilespmem:$0x1FD40] =	vst v63  }
0x91: {  	v3 =	vld [tilespmem:s11+$0x80];
	_ =	sdelay $0x7  }
0x92: {  	[tilespmem:v3+s0+$0x0] =	vst.idx.add.f32.msk $0xffff, v2  }
0x93: {  	v3 =	vld [tilespmem:s11+$0x90];
	_ =	sdelay $0x7  }
0x94: {  	[tilespmem:v3+s0+$0x0] =	vst.idx.add.f32.msk $0xffff, v2  }
0x95: {  	v3 =	vld [tilespmem:s11+$0xA0];
	_ =	sdelay $0x7  }
0x96: {  	[tilespmem:v3+s0+$0x0] =	vst.idx.add.f32.msk $0xffff, v2  }
0x97: {  	v3 =	vld [tilespmem:s11+$0xB0];
	_ =	sdelay $0x7  }
0x98: {  	[tilespmem:v3+s0+$0x0] =	vst.idx.add.f32.msk $0xffff, v2  }
0x99: {  	v3 =	vld [tilespmem:s11+$0xC0];
	_ =	sdelay $0x7  }
0x9a: {  	[tilespmem:v3+s0+$0x0] =	vst.idx.add.f32.msk $0xffff, v2  }
0x9b: {  	v3 =	vld [tilespmem:s11+$0xD0];
	_ =	sdelay $0x7  }
0x9c: {  	[tilespmem:v3+s0+$0x0] =	vst.idx.add.f32.msk $0xffff, v2  }
0x9d: {  	v3 =	vld [tilespmem:s11+$0xE0];
	_ =	sdelay $0x7  }
0x9e: {  	[tilespmem:v3+s0+$0x0] =	vst.idx.add.f32.msk $0xffff, v2  }
0x9f: {  	v3 =	vld [tilespmem:s11+$0xF0];
	_ =	sdelay $0x7  }
0xa0: {  	[tilespmem:v3+s0+$0x0] =	vst.idx.add.f32.msk $0xffff, v2  }
0xa1: {  	_ =	swait.ge [sflag:s26], $0x2000  }
0xa2: {  	[sflag:s26] =	ssyncset.done $0x0  }
0xa3: {  	[sflag:s26] =	ssyncadd.s32 $0xFFFFE000  }
0xa4: {  	[tilespmem:s3], [sflag:$0x1] =	stream.indirect.gather [spmem:s1], $0x40, s7, s31, $0xb8;
	[tilespmem:$0x1FD40] =	vst v63  }
0xa5: {  	_ =	swait.ge [sflag:s19], $0x2000  }
0xa6: {  	[sflag:s19] =	ssyncset.done $0x0  }
0xa7: {  	s6 =	sadd.s32 $0x100, s11;
	[sflag:s19] =	ssyncadd.s32 $0xFFFFE000  }
0xa8: {  	[spmem:s2] =	stream.indirect.scatter.add.f32 [tilespmem:s3], [sflag:$0x3], $0x40, s6, s31, $0xb8;
	[tilespmem:$0x1FD40] =	vst v63  }
0xa9: {  	v3 =	vld [tilespmem:s11+$0x100];
	_ =	sdelay $0x7  }
0xaa: {  	[tilespmem:v3+s0+$0x0] =	vst.idx.add.f32.msk $0xffff, v2  }
0xab: {  	v3 =	vld [tilespmem:s11+$0x110];
	_ =	sdelay $0x7  }
0xac: {  	[tilespmem:v3+s0+$0x0] =	vst.idx.add.f32.msk $0xffff, v2  }
0xad: {  	v3 =	vld [tilespmem:s11+$0x120];
	_ =	sdelay $0x7  }
0xae: {  	[tilespmem:v3+s0+$0x0] =	vst.idx.add.f32.msk $0xffff, v2  }
0xaf: {  	v3 =	vld [tilespmem:s11+$0x130];
	_ =	sdelay $0x7  }
0xb0: {  	[tilespmem:v3+s0+$0x0] =	vst.idx.add.f32.msk $0xffff, v2  }
0xb1: {  	v3 =	vld [tilespmem:s11+$0x140];
	_ =	sdelay $0x7  }
0xb2: {  	[tilespmem:v3+s0+$0x0] =	vst.idx.add.f32.msk $0xffff, v2  }
0xb3: {  	v3 =	vld [tilespmem:s11+$0x150];
	_ =	sdelay $0x7  }
0xb4: {  	[tilespmem:v3+s0+$0x0] =	vst.idx.add.f32.msk $0xffff, v2  }
0xb5: {  	v3 =	vld [tilespmem:s11+$0x160];
	_ =	sdelay $0x7  }
0xb6: {  	[tilespmem:v3+s0+$0x0] =	vst.idx.add.f32.msk $0xffff, v2  }
0xb7: {  	v3 =	vld [tilespmem:s11+$0x170];
	_ =	sdelay $0x7  }
0xb8: {  	[tilespmem:v3+s0+$0x0] =	vst.idx.add.f32.msk $0xffff, v2  }
0xb9: {  	_ =	swait.ge [sflag:s8], $0x2000  }
0xba: {  	[sflag:s8] =	ssyncset.done $0x0  }
0xbb: {  	[sflag:s8] =	ssyncadd.s32 $0xFFFFE000  }
0xbc: {  	[tilespmem:s21], [sflag:$0x2] =	stream.indirect.gather [spmem:s1], $0x40, s10, s31, $0xb8;
	[tilespmem:$0x1FD40] =	vst v63  }
0xbd: {  	p0 =	seq.s32 s18, $0x13000;
	_ =	swait.ge [sflag:s24], $0x2000  }
0xbe: {  	s22 =	simm.s32 @!p0 $0x0;
	[sflag:s24] =	ssyncset.done $0x0  }
0xbf: {  	s9 =	simm.s32 @!p0 $0x5000;
	s6 =	sadd.s32 @!p0 $0xFFFFFFC0, s17;
	[sflag:s24] =	ssyncadd.s32 $0xFFFFE000  }
0xc0: {  	[tilespmem:s9], [sflag:$0x5] =	stream.linear.gather @!p0 [hbm4b:s6+s22], $0x200, $0x38;
	[tilespmem:$0x1FD40] =	vst v63  }
0xc1: {  	s9 =	sadd.s32 $0x180, s11  }
0xc2: {  	[spmem:s2] =	stream.indirect.scatter.add.f32 [tilespmem:s21], [sflag:$0x4], $0x40, s9, s31, $0xb8;
	[tilespmem:$0x1FD40] =	vst v63  }
0xc3: {  	v3 =	vld [tilespmem:s11+$0x180];
	_ =	sdelay $0x7  }
0xc4: {  	[tilespmem:v3+s0+$0x0] =	vst.idx.add.f32.msk $0xffff, v2  }
0xc5: {  	v3 =	vld [tilespmem:s11+$0x190];
	_ =	sdelay $0x7  }
0xc6: {  	[tilespmem:v3+s0+$0x0] =	vst.idx.add.f32.msk $0xffff, v2  }
0xc7: {  	v3 =	vld [tilespmem:s11+$0x1A0];
	_ =	sdelay $0x7  }
0xc8: {  	[tilespmem:v3+s0+$0x0] =	vst.idx.add.f32.msk $0xffff, v2  }
0xc9: {  	v3 =	vld [tilespmem:s11+$0x1B0];
	_ =	sdelay $0x7  }
0xca: {  	[tilespmem:v3+s0+$0x0] =	vst.idx.add.f32.msk $0xffff, v2  }
0xcb: {  	v3 =	vld [tilespmem:s11+$0x1C0];
	_ =	sdelay $0x7  }
0xcc: {  	[tilespmem:v3+s0+$0x0] =	vst.idx.add.f32.msk $0xffff, v2  }
0xcd: {  	v3 =	vld [tilespmem:s11+$0x1D0];
	_ =	sdelay $0x7  }
0xce: {  	[tilespmem:v3+s0+$0x0] =	vst.idx.add.f32.msk $0xffff, v2  }
0xcf: {  	v3 =	vld [tilespmem:s11+$0x1E0];
	_ =	sdelay $0x7  }
0xd0: {  	[tilespmem:v3+s0+$0x0] =	vst.idx.add.f32.msk $0xffff, v2  }
0xd1: {  	v3 =	vld [tilespmem:s11+$0x1F0];
	_ =	sdelay $0x7  }
0xd2: {  	[tilespmem:v3+s0+$0x0] =	vst.idx.add.f32.msk $0xffff, v2  }
0xd3: {  	_ =	swait.ge [sflag:s26], $0x2000  }
0xd4: {  	[sflag:s26] =	ssyncset.done $0x0  }
0xd5: {  	[sflag:s26] =	ssyncadd.s32 $0xFFFFE000  }
0xd6: {  	_ =	swait.ge [sflag:s12], $0x200  }
0xd7: {  	[sflag:s12] =	ssyncset.done $0x0  }
0xd8: {  	[sflag:s12] =	ssyncadd.s32 $0xFFFFFE00  }
0xd9: {  	[tilespmem:s3], [sflag:$0x1] =	stream.indirect.gather [spmem:s1], $0x40, s30, s31, $0xb8;
	[tilespmem:$0x1FD40] =	vst v63  }
0xda: {  	_ =	swait.ge [sflag:s19], $0x2000  }
0xdb: {  	[sflag:s19] =	ssyncset.done $0x0  }
0xdc: {  	s9 =	sadd.s32 $0x200, s11;
	[sflag:s19] =	ssyncadd.s32 $0xFFFFE000  }
0xdd: {  	[spmem:s2] =	stream.indirect.scatter.add.f32 [tilespmem:s3], [sflag:$0x3], $0x40, s9, s31, $0xb8;
	[tilespmem:$0x1FD40] =	vst v63  }
0xde: {  	v3 =	vld [tilespmem:s11+$0x200];
	_ =	sdelay $0x7  }
0xdf: {  	[tilespmem:v3+s0+$0x0] =	vst.idx.add.f32.msk $0xffff, v2  }
0xe0: {  	v3 =	vld [tilespmem:s11+$0x210];
	_ =	sdelay $0x7  }
0xe1: {  	[tilespmem:v3+s0+$0x0] =	vst.idx.add.f32.msk $0xffff, v2  }
0xe2: {  	v3 =	vld [tilespmem:s11+$0x220];
	_ =	sdelay $0x7  }
0xe3: {  	[tilespmem:v3+s0+$0x0] =	vst.idx.add.f32.msk $0xffff, v2  }
0xe4: {  	v3 =	vld [tilespmem:s11+$0x230];
	_ =	sdelay $0x7  }
0xe5: {  	[tilespmem:v3+s0+$0x0] =	vst.idx.add.f32.msk $0xffff, v2  }
0xe6: {  	v3 =	vld [tilespmem:s11+$0x240];
	_ =	sdelay $0x7  }
0xe7: {  	[tilespmem:v3+s0+$0x0] =	vst.idx.add.f32.msk $0xffff, v2  }
0xe8: {  	v3 =	vld [tilespmem:s11+$0x250];
	_ =	sdelay $0x7  }
0xe9: {  	[tilespmem:v3+s0+$0x0] =	vst.idx.add.f32.msk $0xffff, v2  }
0xea: {  	v3 =	vld [tilespmem:s11+$0x260];
	_ =	sdelay $0x7  }
0xeb: {  	[tilespmem:v3+s0+$0x0] =	vst.idx.add.f32.msk $0xffff, v2  }
0xec: {  	v3 =	vld [tilespmem:s11+$0x270];
	_ =	sdelay $0x7  }
0xed: {  	[tilespmem:v3+s0+$0x0] =	vst.idx.add.f32.msk $0xffff, v2  }
0xee: {  	_ =	swait.ge [sflag:s8], $0x2000  }
0xef: {  	[sflag:s8] =	ssyncset.done $0x0  }
0xf0: {  	[sflag:s8] =	ssyncadd.s32 $0xFFFFE000  }
0xf1: {  	[tilespmem:s21], [sflag:$0x2] =	stream.indirect.gather [spmem:s1], $0x40, s13, s31, $0xb8;
	[tilespmem:$0x1FD40] =	vst v63  }
0xf2: {  	_ =	swait.ge [sflag:s24], $0x2000  }
0xf3: {  	[sflag:s24] =	ssyncset.done $0x0  }
0xf4: {  	s9 =	sadd.s32 $0x280, s11;
	[sflag:s24] =	ssyncadd.s32 $0xFFFFE000  }
0xf5: {  	[spmem:s2] =	stream.indirect.scatter.add.f32 [tilespmem:s21], [sflag:$0x4], $0x40, s9, s31, $0xb8;
	[tilespmem:$0x1FD40] =	vst v63  }
0xf6: {  	v3 =	vld [tilespmem:s11+$0x280];
	_ =	sdelay $0x7  }
0xf7: {  	[tilespmem:v3+s0+$0x0] =	vst.idx.add.f32.msk $0xffff, v2  }
0xf8: {  	v3 =	vld [tilespmem:s11+$0x290];
	_ =	sdelay $0x7  }
0xf9: {  	[tilespmem:v3+s0+$0x0] =	vst.idx.add.f32.msk $0xffff, v2  }
0xfa: {  	v3 =	vld [tilespmem:s11+$0x2A0];
	_ =	sdelay $0x7  }
0xfb: {  	[tilespmem:v3+s0+$0x0] =	vst.idx.add.f32.msk $0xffff, v2  }
0xfc: {  	v3 =	vld [tilespmem:s11+$0x2B0];
	_ =	sdelay $0x7  }
0xfd: {  	[tilespmem:v3+s0+$0x0] =	vst.idx.add.f32.msk $0xffff, v2  }
0xfe: {  	v3 =	vld [tilespmem:s11+$0x2C0];
	_ =	sdelay $0x7  }
0xff: {  	[tilespmem:v3+s0+$0x0] =	vst.idx.add.f32.msk $0xffff, v2  }
0x100: {  	v3 =	vld [tilespmem:s11+$0x2D0];
	_ =	sdelay $0x7  }
0x101: {  	[tilespmem:v3+s0+$0x0] =	vst.idx.add.f32.msk $0xffff, v2  }
0x102: {  	v3 =	vld [tilespmem:s11+$0x2E0];
	_ =	sdelay $0x7  }
0x103: {  	[tilespmem:v3+s0+$0x0] =	vst.idx.add.f32.msk $0xffff, v2  }
0x104: {  	v3 =	vld [tilespmem:s11+$0x2F0];
	_ =	sdelay $0x7  }
0x105: {  	[tilespmem:v3+s0+$0x0] =	vst.idx.add.f32.msk $0xffff, v2  }
0x106: {  	_ =	swait.ge [sflag:s26], $0x2000  }
0x107: {  	[sflag:s26] =	ssyncset.done $0x0  }
0x108: {  	[sflag:s26] =	ssyncadd.s32 $0xFFFFE000  }
0x109: {  	[tilespmem:s3], [sflag:$0x1] =	stream.indirect.gather [spmem:s1], $0x40, s14, s31, $0xb8;
	[tilespmem:$0x1FD40] =	vst v63  }
0x10a: {  	_ =	swait.ge [sflag:s19], $0x2000  }
0x10b: {  	[sflag:s19] =	ssyncset.done $0x0  }
0x10c: {  	s9 =	sadd.s32 $0x300, s11;
	[sflag:s19] =	ssyncadd.s32 $0xFFFFE000  }
0x10d: {  	[spmem:s2] =	stream.indirect.scatter.add.f32 [tilespmem:s3], [sflag:$0x3], $0x40, s9, s31, $0xb8;
	[tilespmem:$0x1FD40] =	vst v63  }
0x10e: {  	v3 =	vld [tilespmem:s11+$0x300];
	_ =	sdelay $0x7  }
0x10f: {  	[tilespmem:v3+s0+$0x0] =	vst.idx.add.f32.msk $0xffff, v2  }
0x110: {  	v3 =	vld [tilespmem:s11+$0x310];
	_ =	sdelay $0x7  }
0x111: {  	[tilespmem:v3+s0+$0x0] =	vst.idx.add.f32.msk $0xffff, v2  }
0x112: {  	v3 =	vld [tilespmem:s11+$0x320];
	_ =	sdelay $0x7  }
0x113: {  	[tilespmem:v3+s0+$0x0] =	vst.idx.add.f32.msk $0xffff, v2  }
0x114: {  	v3 =	vld [tilespmem:s11+$0x330];
	_ =	sdelay $0x7  }
0x115: {  	[tilespmem:v3+s0+$0x0] =	vst.idx.add.f32.msk $0xffff, v2  }
0x116: {  	v3 =	vld [tilespmem:s11+$0x340];
	_ =	sdelay $0x7  }
0x117: {  	[tilespmem:v3+s0+$0x0] =	vst.idx.add.f32.msk $0xffff, v2  }
0x118: {  	v3 =	vld [tilespmem:s11+$0x350];
	_ =	sdelay $0x7  }
0x119: {  	[tilespmem:v3+s0+$0x0] =	vst.idx.add.f32.msk $0xffff, v2  }
0x11a: {  	v3 =	vld [tilespmem:s11+$0x360];
	_ =	sdelay $0x7  }
0x11b: {  	[tilespmem:v3+s0+$0x0] =	vst.idx.add.f32.msk $0xffff, v2  }
0x11c: {  	v3 =	vld [tilespmem:s11+$0x370];
	_ =	sdelay $0x7  }
0x11d: {  	[tilespmem:v3+s0+$0x0] =	vst.idx.add.f32.msk $0xffff, v2  }
0x11e: {  	_ =	swait.ge [sflag:s8], $0x2000  }
0x11f: {  	[sflag:s8] =	ssyncset.done $0x0  }
0x120: {  	[sflag:s8] =	ssyncadd.s32 $0xFFFFE000  }
0x121: {  	[tilespmem:s21], [sflag:$0x2] =	stream.indirect.gather [spmem:s1], $0x40, s15, s31, $0xb8;
	[tilespmem:$0x1FD40] =	vst v63  }
0x122: {  	_ =	swait.ge [sflag:s24], $0x2000  }
0x123: {  	[sflag:s24] =	ssyncset.done $0x0  }
0x124: {  	s6 =	simm.s32 @!p0 $0x5200;
	[sflag:s24] =	ssyncadd.s32 $0xFFFFE000  }
0x125: {  	[tilespmem:s6], [sflag:$0x6] =	stream.linear.gather @!p0 [hbm4b:s17+s22], $0x200, $0x38;
	[tilespmem:$0x1FD40] =	vst v63  }
0x126: {  	s22 =	sadd.s32 $0x380, s11  }
0x127: {  	[spmem:s2] =	stream.indirect.scatter.add.f32 [tilespmem:s21], [sflag:$0x4], $0x40, s22, s31, $0xb8;
	[tilespmem:$0x1FD40] =	vst v63  }
0x128: {  	v3 =	vld [tilespmem:s11+$0x380];
	_ =	sdelay $0x7  }
0x129: {  	[tilespmem:v3+s0+$0x0] =	vst.idx.add.f32.msk $0xffff, v2  }
0x12a: {  	v3 =	vld [tilespmem:s11+$0x390];
	_ =	sdelay $0x7  }
0x12b: {  	[tilespmem:v3+s0+$0x0] =	vst.idx.add.f32.msk $0xffff, v2  }
0x12c: {  	v3 =	vld [tilespmem:s11+$0x3A0];
	_ =	sdelay $0x7  }
0x12d: {  	[tilespmem:v3+s0+$0x0] =	vst.idx.add.f32.msk $0xffff, v2  }
0x12e: {  	v3 =	vld [tilespmem:s11+$0x3B0];
	_ =	sdelay $0x7  }
0x12f: {  	[tilespmem:v3+s0+$0x0] =	vst.idx.add.f32.msk $0xffff, v2  }
0x130: {  	v3 =	vld [tilespmem:s11+$0x3C0];
	_ =	sdelay $0x7  }
0x131: {  	[tilespmem:v3+s0+$0x0] =	vst.idx.add.f32.msk $0xffff, v2  }
0x132: {  	v3 =	vld [tilespmem:s11+$0x3D0];
	_ =	sdelay $0x7  }
0x133: {  	[tilespmem:v3+s0+$0x0] =	vst.idx.add.f32.msk $0xffff, v2  }
0x134: {  	v3 =	vld [tilespmem:s11+$0x3E0];
	_ =	sdelay $0x7  }
0x135: {  	[tilespmem:v3+s0+$0x0] =	vst.idx.add.f32.msk $0xffff, v2  }
0x136: {  	v3 =	vld [tilespmem:s11+$0x3F0];
	_ =	sdelay $0x6  }
.Ltmp4:
0x137: {  	_ = 	snop;
	(pc) =	sbr.rel @p0 .LBB2_8-.Ltmp4, $4  }
0x138: {  	[tilespmem:v3+s0+$0x0] =	vst.idx.add.f32.msk $0xffff, v2  }
0x139: {  	_ =	swait.ge [sflag:s26], $0x2000  }
0x13a: {  	[sflag:s26] =	ssyncset.done $0x0  }
0x13b: {  	[sflag:s26] =	ssyncadd.s32 $0xFFFFE000  }
.Ltmp5:
0x13c: {  	(pc) =	sbr.rel .LBB2_6-.Ltmp5, $4  }
0x13d: {  	_ =	swait.ge [sflag:s25], $0x200  }
0x13e: {  	[sflag:s25] =	ssyncset.done $0x0  }
0x13f: {  	s18 =	sadd.s32 $0x1000, s18;
	s17 =	sadd.s32 $0x80, s17;
	[sflag:s25] =	ssyncadd.s32 $0xFFFFFE00  }
0x140: {  	[tilespmem:s3], [sflag:$0x1] =	stream.indirect.gather [spmem:s1], $0x40, s28, s31, $0xb8;
	[tilespmem:$0x1FD40] =	vst v63  }
.LBB2_9:
0x141: {  	_ =	sfence.sel $0x180000  }
0x142: {  	[bflag:$0x0] =	sbarrier.arrive $0xFFFF  }
0x143: {  	_ =	strace $0x90000047  }
0x144: {  	s0 =	stileid.u32;
	[bflag:$0x2] =	sbarrier.arrive $0xFFFF  }
0x145: {  	p0 =	sne.s32 s0, $0x0;
	s0 =	rddreg [dreg:$0x6]  }
0x146: {  	s0 =	sadd.s32 @!p0 $0x100000, s0  }
0x147: {  	[sflag:s0] =	ssyncadd.tile.s32 @!p0 $0x1;
	_ =	shalt  }
.Lfunc_end2:
_tile_overlayer_lowered:
.L_overlay_start_2:
0x148: {  	(tag) =	ssettag $0x2  }
0x149: {  	s0 =	rddreg [dreg:$0x0];
	s2 =	stileid.u32  }
0x14a: {  	s1 =	rddreg [dreg:$0x1];
	p0 =	sne.s32 s2, $0x0  }
0x14b: {  	s3 =	rddreg [dreg:$0x2];
	[bflag:$0x3] =	sbarrier.arrive $0xFFFF;
	s2 =	simm.s32 @!p0 $0x1C07  }
0x14c: {  	[timem:s3], [sflag:s2] =	dma.local @!p0 [hbm:s0], s1  }
0x14d: {  	s0 =	simm.s32 @!p0 $0x7  }
0x14e: {  	_ =	swait.ge @!p0 [sflag:s0], s1  }
0x14f: {  	s1 =	ssub.s32 @!p0 $0x0, s1;
	[sflag:s0] =	ssyncset.done @!p0 $0x0  }
0x150: {  	[sflag:s0] =	ssyncadd.s32 @!p0 s1  }
0x151: {  	[bflag:$0x3] =	sbarrier.arrive $0xFFFF  }
0x152: {  	_ =	shalt  }

</sc_bundles>
